<compile_context>
chip_gen: v7x
topology: tpu7x:2x2x1
jax: 0.10.2.dev20260603
libtpu: 0.0.44.dev20260713+nightly
codegen_flags: <defaults>
</compile_context>

<pallas_src>
import functools

import jax
import jax.numpy as jnp
from jax import lax
from jax.experimental import pallas as pl
from jax.experimental.pallas import tpu as pltpu
from jax.experimental.pallas import tpu_sc as plsc

BATCH = 16384
D = 32
L = 16
NC = 2
NS = 16
NW = NC * NS
BPW = BATCH // NW
NG = BPW // L


def _sc_body(uidx_hbm, iidx_hbm, utab_hbm, itab_hbm, w_hbm, b_hbm, out_hbm,
             uidx_v, iidx_v, urows_v, irows_v, w_v, b_v, out_v, sem_u, sem_i):
    wid = lax.axis_index("s") * NC + lax.axis_index("c")
    base = wid * BPW

    pltpu.sync_copy(uidx_hbm.at[pl.ds(base, BPW)], uidx_v)
    pltpu.sync_copy(iidx_hbm.at[pl.ds(base, BPW)], iidx_v)

    cp_u = pltpu.async_copy(utab_hbm.at[uidx_v], urows_v, sem_u)
    cp_i = pltpu.async_copy(itab_hbm.at[iidx_v], irows_v, sem_i)
    pltpu.sync_copy(w_hbm, w_v)
    pltpu.sync_copy(b_hbm, b_v)
    cp_u.wait()
    cp_i.wait()

    lanes = lax.iota(jnp.int32, L)
    bval = b_v[pl.ds(0, L)][0]
    w_lo = w_v[pl.ds(0, L)]
    w_hi = w_v[pl.ds(L, L)]

    def group_body(g, carry):
        rows = lanes + g * L
        acc = jnp.zeros((L,), jnp.float32)
        for d in range(D):
            cols = jnp.full((L,), d, jnp.int32)
            u = plsc.load_gather(urows_v, [rows, cols])
            it = plsc.load_gather(irows_v, [rows, cols])
            wd = (w_lo if d < L else w_hi)[d % L]
            acc = acc + u * it * wd
        logits = acc + bval
        rating = 1.0 / (1.0 + jnp.exp(-logits))
        out_v[pl.ds(g * L, L)] = rating
        return carry

    lax.fori_loop(0, NG, group_body, 0)
    pltpu.sync_copy(out_v, out_hbm.at[pl.ds(base, BPW)])


@jax.jit
def _gmf_sc(uidx, iidx, utab, itab, w_flat, b_pad):
    mesh = plsc.VectorSubcoreMesh(core_axis_name="c", subcore_axis_name="s")
    f = functools.partial(
        pl.kernel,
        mesh=mesh,
        compiler_params=pltpu.CompilerParams(needs_layout_passes=False, use_tc_tiling_on_sc=False),
        out_type=jax.ShapeDtypeStruct((BATCH,), jnp.float32),
        scratch_types=[
            pltpu.VMEM((BPW,), jnp.int32),
            pltpu.VMEM((BPW,), jnp.int32),
            pltpu.VMEM((BPW, D), jnp.float32),
            pltpu.VMEM((BPW, D), jnp.float32),
            pltpu.VMEM((D,), jnp.float32),
            pltpu.VMEM((L,), jnp.float32),
            pltpu.VMEM((BPW,), jnp.float32),
            pltpu.SemaphoreType.DMA,
            pltpu.SemaphoreType.DMA,
        ],
    )(_sc_body)
    return f(uidx, iidx, utab, itab, w_flat, b_pad)


def kernel(user_indices, item_indices, user_table, item_table, W, b):
    w_flat = W.reshape(D)
    b_pad = jnp.pad(b.astype(jnp.float32), (0, L - b.shape[0]))
    out = _gmf_sc(user_indices.astype(jnp.int32), item_indices.astype(jnp.int32),
                  user_table, item_table, w_flat, b_pad)
    return out.reshape(BATCH, 1)

# --- scband reference (transcript-rebuilt; emitter-appended) ---
"""Pipeline reference for scband-generalized-matrix-factorization-33234456937100 (READ-ONLY COPY).

The authoritative reference and input builder live on the scoring server;
editing this copy changes nothing except your own understanding.
"""

import jax, jax.numpy as jnp
import numpy as np

NUM_USERS = 1000000
NUM_ITEMS = 1000000
FACTOR_NUM = 32
BATCH = 16384

def setup_inputs(seed: int = 0) -> dict:
    key = jax.random.key(seed)
    k1, k2, k3, k4, k5, k6 = jax.random.split(key, 6)
    user_indices = jax.random.randint(k1, (BATCH,), 0, NUM_USERS, dtype=jnp.int64 if jax.config.jax_enable_x64 else jnp.int32)
    item_indices = jax.random.randint(k2, (BATCH,), 0, NUM_ITEMS, dtype=jnp.int64 if jax.config.jax_enable_x64 else jnp.int32)
    user_table = jax.random.normal(k3, (NUM_USERS, FACTOR_NUM), dtype=jnp.float32) * 0.01
    item_table = jax.random.normal(k4, (NUM_ITEMS, FACTOR_NUM), dtype=jnp.float32) * 0.01
    W = jax.random.normal(k5, (FACTOR_NUM, 1), dtype=jnp.float32) * (1.0 / np.sqrt(FACTOR_NUM))
    b = jax.random.normal(k6, (1,), dtype=jnp.float32) * 0.01
    return {"user_indices": user_indices, "item_indices": item_indices, "user_table": user_table, "item_table": item_table, "W": W, "b": b}

def reference(user_indices, item_indices, user_table, item_table, W, b):
    user_embedding = jnp.take(user_table, user_indices, axis=0)
    item_embedding = jnp.take(item_table, item_indices, axis=0)
    element_product = user_embedding * item_embedding
    logits = element_product @ W + b
    rating = jax.nn.sigmoid(logits)
    return rating

if __name__ == "__main__":
    import jax
    _d = setup_inputs()
    print(jax.jit(kernel)(*tuple(_d.values())))

</pallas_src>

<mosaic_0001>
#map = affine_map<(d0, d1) -> (0)>
#map1 = affine_map<(d0, d1) -> (0, 0)>
module attributes {stable_mosaic.version = 14 : i64} {
  func.func @_sc_body(%arg0: i32, %arg1: i32, %arg2: memref<16384xi32, #tpu.memory_space<hbm>>, %arg3: memref<16384xi32, #tpu.memory_space<hbm>>, %arg4: memref<1000000x32xf32, #tpu.memory_space<hbm>>, %arg5: memref<1000000x32xf32, #tpu.memory_space<hbm>>, %arg6: memref<32xf32, #tpu.memory_space<hbm>>, %arg7: memref<16xf32, #tpu.memory_space<hbm>>, %arg8: memref<16384xf32, #tpu.memory_space<hbm>>, %arg9: memref<512xi32, #tpu.memory_space<vmem>>, %arg10: memref<512xi32, #tpu.memory_space<vmem>>, %arg11: memref<512x32xf32, #tpu.memory_space<vmem>>, %arg12: memref<512x32xf32, #tpu.memory_space<vmem>>, %arg13: memref<32xf32, #tpu.memory_space<vmem>>, %arg14: memref<16xf32, #tpu.memory_space<vmem>>, %arg15: memref<512xf32, #tpu.memory_space<vmem>>, %arg16: memref<!tpu.dma_semaphore, #tpu.memory_space<semaphore_mem>>, %arg17: memref<!tpu.dma_semaphore, #tpu.memory_space<semaphore_mem>>) attributes {dimension_semantics = [#tpu.dimension_semantics<core_parallel>, #tpu.dimension_semantics<subcore_parallel>], iteration_bounds = array<i64: 2, 16>, scalar_prefetch = 0 : i64, scratch_operands = 9 : i64, tpu.core_type = #tpu.core_type<sc_vector_subcore>, window_params = [{transform_indices = #map}, {transform_indices = #map}, {transform_indices = #map1}, {transform_indices = #map1}, {transform_indices = #map}, {transform_indices = #map}, {transform_indices = #map}]} {
    %mul3A = arith.constant 2 : i32
    %mul3A_0 = arith.muli %arg1, %mul3A : i32
    %add3A = arith.addi %mul3A_0, %arg0 : i32
    %mul3A_1 = arith.constant 512 : i32
    %mul3A_2 = arith.muli %add3A, %mul3A_1 : i32
    "tpu.region"() ({
      %run_scoped3A = tpu.sem_alloc : memref<!tpu.dma_semaphore, #tpu.memory_space<semaphore_mem>>
      %dma_start3A_23 = tpu.memref_slice %arg2[%mul3A_2] : memref<16384xi32, #tpu.memory_space<hbm>> -> memref<512xi32, #tpu.memory_space<hbm>>
      %dma_start3A_24 = tpu.memref_slice %arg2[%mul3A_2] : memref<16384xi32, #tpu.memory_space<hbm>> -> memref<512xi32, #tpu.memory_space<hbm>>
      tpu.enqueue_dma source(%dma_start3A_24 : memref<512xi32, #tpu.memory_space<hbm>>) target(%arg9 : memref<512xi32, #tpu.memory_space<vmem>>) target_semaphore(%run_scoped3A : memref<!tpu.dma_semaphore, #tpu.memory_space<semaphore_mem>>)
      %dma_wait3A_25 = tpu.memref_slice %arg2[%mul3A_2] : memref<16384xi32, #tpu.memory_space<hbm>> -> memref<512xi32, #tpu.memory_space<hbm>>
      %dma_wait3A_26 = tpu.memref_slice %arg2[%mul3A_2] : memref<16384xi32, #tpu.memory_space<hbm>> -> memref<512xi32, #tpu.memory_space<hbm>>
      tpu.wait_dma2 semaphore(%run_scoped3A : memref<!tpu.dma_semaphore, #tpu.memory_space<semaphore_mem>>) src(%dma_wait3A_26 : memref<512xi32, #tpu.memory_space<hbm>>) dst(%arg9 : memref<512xi32, #tpu.memory_space<vmem>>)
      tpu.yield
    }) : () -> ()
    "tpu.region"() ({
      %run_scoped3A = tpu.sem_alloc : memref<!tpu.dma_semaphore, #tpu.memory_space<semaphore_mem>>
      %dma_start3A_23 = tpu.memref_slice %arg3[%mul3A_2] : memref<16384xi32, #tpu.memory_space<hbm>> -> memref<512xi32, #tpu.memory_space<hbm>>
      %dma_start3A_24 = tpu.memref_slice %arg3[%mul3A_2] : memref<16384xi32, #tpu.memory_space<hbm>> -> memref<512xi32, #tpu.memory_space<hbm>>
      tpu.enqueue_dma source(%dma_start3A_24 : memref<512xi32, #tpu.memory_space<hbm>>) target(%arg10 : memref<512xi32, #tpu.memory_space<vmem>>) target_semaphore(%run_scoped3A : memref<!tpu.dma_semaphore, #tpu.memory_space<semaphore_mem>>)
      %dma_wait3A_25 = tpu.memref_slice %arg3[%mul3A_2] : memref<16384xi32, #tpu.memory_space<hbm>> -> memref<512xi32, #tpu.memory_space<hbm>>
      %dma_wait3A_26 = tpu.memref_slice %arg3[%mul3A_2] : memref<16384xi32, #tpu.memory_space<hbm>> -> memref<512xi32, #tpu.memory_space<hbm>>
      tpu.wait_dma2 semaphore(%run_scoped3A : memref<!tpu.dma_semaphore, #tpu.memory_space<semaphore_mem>>) src(%dma_wait3A_26 : memref<512xi32, #tpu.memory_space<hbm>>) dst(%arg10 : memref<512xi32, #tpu.memory_space<vmem>>)
      tpu.yield
    }) : () -> ()
    %dma_start3A = arith.constant 0 : i32
    %dma_start3A_3 = arith.constant 0 : i32
    %dma_start3A_4 = tpu.memref_slice %arg4[%dma_start3A, %dma_start3A_3] : memref<1000000x32xf32, #tpu.memory_space<hbm>> -> memref<1000000x32xf32, #tpu.memory_space<hbm>>
    tpu.enqueue_indirect_dma source(%dma_start3A_4 : memref<1000000x32xf32, #tpu.memory_space<hbm>>) target(%arg11 : memref<512x32xf32, #tpu.memory_space<vmem>>) offsets(%arg9 : memref<512xi32, #tpu.memory_space<vmem>>) semaphore(%arg16 : memref<!tpu.dma_semaphore, #tpu.memory_space<semaphore_mem>>)
    %dma_start3A_5 = arith.constant 0 : i32
    %dma_start3A_6 = arith.constant 0 : i32
    %dma_start3A_7 = tpu.memref_slice %arg5[%dma_start3A_5, %dma_start3A_6] : memref<1000000x32xf32, #tpu.memory_space<hbm>> -> memref<1000000x32xf32, #tpu.memory_space<hbm>>
    tpu.enqueue_indirect_dma source(%dma_start3A_7 : memref<1000000x32xf32, #tpu.memory_space<hbm>>) target(%arg12 : memref<512x32xf32, #tpu.memory_space<vmem>>) offsets(%arg10 : memref<512xi32, #tpu.memory_space<vmem>>) semaphore(%arg17 : memref<!tpu.dma_semaphore, #tpu.memory_space<semaphore_mem>>)
    "tpu.region"() ({
      %run_scoped3A = tpu.sem_alloc : memref<!tpu.dma_semaphore, #tpu.memory_space<semaphore_mem>>
      tpu.enqueue_dma source(%arg6 : memref<32xf32, #tpu.memory_space<hbm>>) target(%arg13 : memref<32xf32, #tpu.memory_space<vmem>>) target_semaphore(%run_scoped3A : memref<!tpu.dma_semaphore, #tpu.memory_space<semaphore_mem>>)
      tpu.wait_dma2 semaphore(%run_scoped3A : memref<!tpu.dma_semaphore, #tpu.memory_space<semaphore_mem>>) src(%arg6 : memref<32xf32, #tpu.memory_space<hbm>>) dst(%arg13 : memref<32xf32, #tpu.memory_space<vmem>>)
      tpu.yield
    }) : () -> ()
    "tpu.region"() ({
      %run_scoped3A = tpu.sem_alloc : memref<!tpu.dma_semaphore, #tpu.memory_space<semaphore_mem>>
      tpu.enqueue_dma source(%arg7 : memref<16xf32, #tpu.memory_space<hbm>>) target(%arg14 : memref<16xf32, #tpu.memory_space<vmem>>) target_semaphore(%run_scoped3A : memref<!tpu.dma_semaphore, #tpu.memory_space<semaphore_mem>>)
      tpu.wait_dma2 semaphore(%run_scoped3A : memref<!tpu.dma_semaphore, #tpu.memory_space<semaphore_mem>>) src(%arg7 : memref<16xf32, #tpu.memory_space<hbm>>) dst(%arg14 : memref<16xf32, #tpu.memory_space<vmem>>)
      tpu.yield
    }) : () -> ()
    %dma_wait3A = arith.constant 0 : i32
    %dma_wait3A_8 = arith.constant 0 : i32
    %dma_wait3A_9 = tpu.memref_slice %arg4[%dma_wait3A, %dma_wait3A_8] : memref<1000000x32xf32, #tpu.memory_space<hbm>> -> memref<1000000x32xf32, #tpu.memory_space<hbm>>
    tpu.wait_indirect_dma semaphore(%arg16 : memref<!tpu.dma_semaphore, #tpu.memory_space<semaphore_mem>>) src(%dma_wait3A_9 : memref<1000000x32xf32, #tpu.memory_space<hbm>>) dst(%arg11 : memref<512x32xf32, #tpu.memory_space<vmem>>)
    %dma_wait3A_10 = arith.constant 0 : i32
    %dma_wait3A_11 = arith.constant 0 : i32
    %dma_wait3A_12 = tpu.memref_slice %arg5[%dma_wait3A_10, %dma_wait3A_11] : memref<1000000x32xf32, #tpu.memory_space<hbm>> -> memref<1000000x32xf32, #tpu.memory_space<hbm>>
    tpu.wait_indirect_dma semaphore(%arg17 : memref<!tpu.dma_semaphore, #tpu.memory_space<semaphore_mem>>) src(%dma_wait3A_12 : memref<1000000x32xf32, #tpu.memory_space<hbm>>) dst(%arg12 : memref<512x32xf32, #tpu.memory_space<vmem>>)
    %iota3A = tpu.iota {dimensions = array<i32: 0>} : vector<16xi32>
    %get3A = arith.constant 0 : index
    %get3A_13 = tpu.vector_load %arg14[%get3A] {strides = array<i32>} : memref<16xf32, #tpu.memory_space<vmem>>, vector<16xf32>,
    %slice3A = vector.extract_strided_slice %get3A_13 {offsets = [0], sizes = [1], strides = [1]} : vector<16xf32> to vector<1xf32>
    %squeeze3A = vector.extract %slice3A[0] : f32 from vector<1xf32>
    %get3A_14 = arith.constant 0 : index
    %get3A_15 = tpu.vector_load %arg13[%get3A_14] {strides = array<i32>} : memref<32xf32, #tpu.memory_space<vmem>>, vector<16xf32>,
    %get3A_16 = arith.constant 16 : index
    %get3A_17 = tpu.vector_load %arg13[%get3A_16] {strides = array<i32>} : memref<32xf32, #tpu.memory_space<vmem>>, vector<16xf32>,
    %scan3A = arith.constant 0 : i32
    %scan3A_18 = arith.constant 0 : i32
    %scan3A_19 = arith.constant 32 : i32
    %scan3A_20 = arith.addi %scan3A_18, %scan3A_19 : i32
    %scan3A_21 = arith.constant 1 : i32
    scf.for %scan3A_23 = %scan3A_18 to %scan3A_20 step %scan3A_21  : i32 {
      %mul3A_24 = arith.constant 16 : i32
      %mul3A_25 = arith.muli %scan3A_23, %mul3A_24 : i32
      %add3A_26 = vector.broadcast %mul3A_25 : i32 to vector<16xi32>
      %add3A_27 = arith.addi %iota3A, %add3A_26 : vector<16xi32>
      %broadcast_in_dim3A = arith.constant 0.000000e+00 : f32
      %broadcast_in_dim3A_28 = vector.broadcast %broadcast_in_dim3A : f32 to vector<16xf32>
      %broadcast_in_dim3A_29 = arith.constant 0 : i32
      %broadcast_in_dim3A_30 = vector.broadcast %broadcast_in_dim3A_29 : i32 to vector<16xi32>
      %gather3A = tpu.vector_load_idx %arg11[%add3A_27, %broadcast_in_dim3A_30] : memref<512x32xf32, #tpu.memory_space<vmem>>[vector<16xi32>, vector<16xi32>], vector<16xf32>,
      %gather3A_31 = tpu.vector_load_idx %arg12[%add3A_27, %broadcast_in_dim3A_30] : memref<512x32xf32, #tpu.memory_space<vmem>>[vector<16xi32>, vector<16xi32>], vector<16xf32>,
      %slice3A_32 = vector.extract_strided_slice %get3A_15 {offsets = [0], sizes = [1], strides = [1]} : vector<16xf32> to vector<1xf32>
      %squeeze3A_33 = vector.extract %slice3A_32[0] : f32 from vector<1xf32>
      %mul3A_34 = arith.mulf %gather3A, %gather3A_31 : vector<16xf32>
      %mul3A_35 = vector.broadcast %squeeze3A_33 : f32 to vector<16xf32>
      %mul3A_36 = arith.mulf %mul3A_34, %mul3A_35 : vector<16xf32>
      %add3A_37 = arith.addf %broadcast_in_dim3A_28, %mul3A_36 : vector<16xf32>
      %broadcast_in_dim3A_38 = arith.constant 1 : i32
      %broadcast_in_dim3A_39 = vector.broadcast %broadcast_in_dim3A_38 : i32 to vector<16xi32>
      %gather3A_40 = tpu.vector_load_idx %arg11[%add3A_27, %broadcast_in_dim3A_39] : memref<512x32xf32, #tpu.memory_space<vmem>>[vector<16xi32>, vector<16xi32>], vector<16xf32>,
      %gather3A_41 = tpu.vector_load_idx %arg12[%add3A_27, %broadcast_in_dim3A_39] : memref<512x32xf32, #tpu.memory_space<vmem>>[vector<16xi32>, vector<16xi32>], vector<16xf32>,
      %slice3A_42 = vector.extract_strided_slice %get3A_15 {offsets = [1], sizes = [1], strides = [1]} : vector<16xf32> to vector<1xf32>
      %squeeze3A_43 = vector.extract %slice3A_42[0] : f32 from vector<1xf32>
      %mul3A_44 = arith.mulf %gather3A_40, %gather3A_41 : vector<16xf32>
      %mul3A_45 = vector.broadcast %squeeze3A_43 : f32 to vector<16xf32>
      %mul3A_46 = arith.mulf %mul3A_44, %mul3A_45 : vector<16xf32>
      %add3A_47 = arith.addf %add3A_37, %mul3A_46 : vector<16xf32>
      %broadcast_in_dim3A_48 = arith.constant 2 : i32
      %broadcast_in_dim3A_49 = vector.broadcast %broadcast_in_dim3A_48 : i32 to vector<16xi32>
      %gather3A_50 = tpu.vector_load_idx %arg11[%add3A_27, %broadcast_in_dim3A_49] : memref<512x32xf32, #tpu.memory_space<vmem>>[vector<16xi32>, vector<16xi32>], vector<16xf32>,
      %gather3A_51 = tpu.vector_load_idx %arg12[%add3A_27, %broadcast_in_dim3A_49] : memref<512x32xf32, #tpu.memory_space<vmem>>[vector<16xi32>, vector<16xi32>], vector<16xf32>,
      %slice3A_52 = vector.extract_strided_slice %get3A_15 {offsets = [2], sizes = [1], strides = [1]} : vector<16xf32> to vector<1xf32>
      %squeeze3A_53 = vector.extract %slice3A_52[0] : f32 from vector<1xf32>
      %mul3A_54 = arith.mulf %gather3A_50, %gather3A_51 : vector<16xf32>
      %mul3A_55 = vector.broadcast %squeeze3A_53 : f32 to vector<16xf32>
      %mul3A_56 = arith.mulf %mul3A_54, %mul3A_55 : vector<16xf32>
      %add3A_57 = arith.addf %add3A_47, %mul3A_56 : vector<16xf32>
      %broadcast_in_dim3A_58 = arith.constant 3 : i32
      %broadcast_in_dim3A_59 = vector.broadcast %broadcast_in_dim3A_58 : i32 to vector<16xi32>
      %gather3A_60 = tpu.vector_load_idx %arg11[%add3A_27, %broadcast_in_dim3A_59] : memref<512x32xf32, #tpu.memory_space<vmem>>[vector<16xi32>, vector<16xi32>], vector<16xf32>,
      %gather3A_61 = tpu.vector_load_idx %arg12[%add3A_27, %broadcast_in_dim3A_59] : memref<512x32xf32, #tpu.memory_space<vmem>>[vector<16xi32>, vector<16xi32>], vector<16xf32>,
      %slice3A_62 = vector.extract_strided_slice %get3A_15 {offsets = [3], sizes = [1], strides = [1]} : vector<16xf32> to vector<1xf32>
      %squeeze3A_63 = vector.extract %slice3A_62[0] : f32 from vector<1xf32>
      %mul3A_64 = arith.mulf %gather3A_60, %gather3A_61 : vector<16xf32>
      %mul3A_65 = vector.broadcast %squeeze3A_63 : f32 to vector<16xf32>
      %mul3A_66 = arith.mulf %mul3A_64, %mul3A_65 : vector<16xf32>
      %add3A_67 = arith.addf %add3A_57, %mul3A_66 : vector<16xf32>
      %broadcast_in_dim3A_68 = arith.constant 4 : i32
      %broadcast_in_dim3A_69 = vector.broadcast %broadcast_in_dim3A_68 : i32 to vector<16xi32>
      %gather3A_70 = tpu.vector_load_idx %arg11[%add3A_27, %broadcast_in_dim3A_69] : memref<512x32xf32, #tpu.memory_space<vmem>>[vector<16xi32>, vector<16xi32>], vector<16xf32>,
      %gather3A_71 = tpu.vector_load_idx %arg12[%add3A_27, %broadcast_in_dim3A_69] : memref<512x32xf32, #tpu.memory_space<vmem>>[vector<16xi32>, vector<16xi32>], vector<16xf32>,
      %slice3A_72 = vector.extract_strided_slice %get3A_15 {offsets = [4], sizes = [1], strides = [1]} : vector<16xf32> to vector<1xf32>
      %squeeze3A_73 = vector.extract %slice3A_72[0] : f32 from vector<1xf32>
      %mul3A_74 = arith.mulf %gather3A_70, %gather3A_71 : vector<16xf32>
      %mul3A_75 = vector.broadcast %squeeze3A_73 : f32 to vector<16xf32>
      %mul3A_76 = arith.mulf %mul3A_74, %mul3A_75 : vector<16xf32>
      %add3A_77 = arith.addf %add3A_67, %mul3A_76 : vector<16xf32>
      %broadcast_in_dim3A_78 = arith.constant 5 : i32
      %broadcast_in_dim3A_79 = vector.broadcast %broadcast_in_dim3A_78 : i32 to vector<16xi32>
      %gather3A_80 = tpu.vector_load_idx %arg11[%add3A_27, %broadcast_in_dim3A_79] : memref<512x32xf32, #tpu.memory_space<vmem>>[vector<16xi32>, vector<16xi32>], vector<16xf32>,
      %gather3A_81 = tpu.vector_load_idx %arg12[%add3A_27, %broadcast_in_dim3A_79] : memref<512x32xf32, #tpu.memory_space<vmem>>[vector<16xi32>, vector<16xi32>], vector<16xf32>,
      %slice3A_82 = vector.extract_strided_slice %get3A_15 {offsets = [5], sizes = [1], strides = [1]} : vector<16xf32> to vector<1xf32>
      %squeeze3A_83 = vector.extract %slice3A_82[0] : f32 from vector<1xf32>
      %mul3A_84 = arith.mulf %gather3A_80, %gather3A_81 : vector<16xf32>
      %mul3A_85 = vector.broadcast %squeeze3A_83 : f32 to vector<16xf32>
      %mul3A_86 = arith.mulf %mul3A_84, %mul3A_85 : vector<16xf32>
      %add3A_87 = arith.addf %add3A_77, %mul3A_86 : vector<16xf32>
      %broadcast_in_dim3A_88 = arith.constant 6 : i32
      %broadcast_in_dim3A_89 = vector.broadcast %broadcast_in_dim3A_88 : i32 to vector<16xi32>
      %gather3A_90 = tpu.vector_load_idx %arg11[%add3A_27, %broadcast_in_dim3A_89] : memref<512x32xf32, #tpu.memory_space<vmem>>[vector<16xi32>, vector<16xi32>], vector<16xf32>,
      %gather3A_91 = tpu.vector_load_idx %arg12[%add3A_27, %broadcast_in_dim3A_89] : memref<512x32xf32, #tpu.memory_space<vmem>>[vector<16xi32>, vector<16xi32>], vector<16xf32>,
      %slice3A_92 = vector.extract_strided_slice %get3A_15 {offsets = [6], sizes = [1], strides = [1]} : vector<16xf32> to vector<1xf32>
      %squeeze3A_93 = vector.extract %slice3A_92[0] : f32 from vector<1xf32>
      %mul3A_94 = arith.mulf %gather3A_90, %gather3A_91 : vector<16xf32>
      %mul3A_95 = vector.broadcast %squeeze3A_93 : f32 to vector<16xf32>
      %mul3A_96 = arith.mulf %mul3A_94, %mul3A_95 : vector<16xf32>
      %add3A_97 = arith.addf %add3A_87, %mul3A_96 : vector<16xf32>
      %broadcast_in_dim3A_98 = arith.constant 7 : i32
      %broadcast_in_dim3A_99 = vector.broadcast %broadcast_in_dim3A_98 : i32 to vector<16xi32>
      %gather3A_100 = tpu.vector_load_idx %arg11[%add3A_27, %broadcast_in_dim3A_99] : memref<512x32xf32, #tpu.memory_space<vmem>>[vector<16xi32>, vector<16xi32>], vector<16xf32>,
      %gather3A_101 = tpu.vector_load_idx %arg12[%add3A_27, %broadcast_in_dim3A_99] : memref<512x32xf32, #tpu.memory_space<vmem>>[vector<16xi32>, vector<16xi32>], vector<16xf32>,
      %slice3A_102 = vector.extract_strided_slice %get3A_15 {offsets = [7], sizes = [1], strides = [1]} : vector<16xf32> to vector<1xf32>
      %squeeze3A_103 = vector.extract %slice3A_102[0] : f32 from vector<1xf32>
      %mul3A_104 = arith.mulf %gather3A_100, %gather3A_101 : vector<16xf32>
      %mul3A_105 = vector.broadcast %squeeze3A_103 : f32 to vector<16xf32>
      %mul3A_106 = arith.mulf %mul3A_104, %mul3A_105 : vector<16xf32>
      %add3A_107 = arith.addf %add3A_97, %mul3A_106 : vector<16xf32>
      %broadcast_in_dim3A_108 = arith.constant 8 : i32
      %broadcast_in_dim3A_109 = vector.broadcast %broadcast_in_dim3A_108 : i32 to vector<16xi32>
      %gather3A_110 = tpu.vector_load_idx %arg11[%add3A_27, %broadcast_in_dim3A_109] : memref<512x32xf32, #tpu.memory_space<vmem>>[vector<16xi32>, vector<16xi32>], vector<16xf32>,
      %gather3A_111 = tpu.vector_load_idx %arg12[%add3A_27, %broadcast_in_dim3A_109] : memref<512x32xf32, #tpu.memory_space<vmem>>[vector<16xi32>, vector<16xi32>], vector<16xf32>,
      %slice3A_112 = vector.extract_strided_slice %get3A_15 {offsets = [8], sizes = [1], strides = [1]} : vector<16xf32> to vector<1xf32>
      %squeeze3A_113 = vector.extract %slice3A_112[0] : f32 from vector<1xf32>
      %mul3A_114 = arith.mulf %gather3A_110, %gather3A_111 : vector<16xf32>
      %mul3A_115 = vector.broadcast %squeeze3A_113 : f32 to vector<16xf32>
      %mul3A_116 = arith.mulf %mul3A_114, %mul3A_115 : vector<16xf32>
      %add3A_117 = arith.addf %add3A_107, %mul3A_116 : vector<16xf32>
      %broadcast_in_dim3A_118 = arith.constant 9 : i32
      %broadcast_in_dim3A_119 = vector.broadcast %broadcast_in_dim3A_118 : i32 to vector<16xi32>
      %gather3A_120 = tpu.vector_load_idx %arg11[%add3A_27, %broadcast_in_dim3A_119] : memref<512x32xf32, #tpu.memory_space<vmem>>[vector<16xi32>, vector<16xi32>], vector<16xf32>,
      %gather3A_121 = tpu.vector_load_idx %arg12[%add3A_27, %broadcast_in_dim3A_119] : memref<512x32xf32, #tpu.memory_space<vmem>>[vector<16xi32>, vector<16xi32>], vector<16xf32>,
      %slice3A_122 = vector.extract_strided_slice %get3A_15 {offsets = [9], sizes = [1], strides = [1]} : vector<16xf32> to vector<1xf32>
      %squeeze3A_123 = vector.extract %slice3A_122[0] : f32 from vector<1xf32>
      %mul3A_124 = arith.mulf %gather3A_120, %gather3A_121 : vector<16xf32>
      %mul3A_125 = vector.broadcast %squeeze3A_123 : f32 to vector<16xf32>
      %mul3A_126 = arith.mulf %mul3A_124, %mul3A_125 : vector<16xf32>
      %add3A_127 = arith.addf %add3A_117, %mul3A_126 : vector<16xf32>
      %broadcast_in_dim3A_128 = arith.constant 10 : i32
      %broadcast_in_dim3A_129 = vector.broadcast %broadcast_in_dim3A_128 : i32 to vector<16xi32>
      %gather3A_130 = tpu.vector_load_idx %arg11[%add3A_27, %broadcast_in_dim3A_129] : memref<512x32xf32, #tpu.memory_space<vmem>>[vector<16xi32>, vector<16xi32>], vector<16xf32>,
      %gather3A_131 = tpu.vector_load_idx %arg12[%add3A_27, %broadcast_in_dim3A_129] : memref<512x32xf32, #tpu.memory_space<vmem>>[vector<16xi32>, vector<16xi32>], vector<16xf32>,
      %slice3A_132 = vector.extract_strided_slice %get3A_15 {offsets = [10], sizes = [1], strides = [1]} : vector<16xf32> to vector<1xf32>
      %squeeze3A_133 = vector.extract %slice3A_132[0] : f32 from vector<1xf32>
      %mul3A_134 = arith.mulf %gather3A_130, %gather3A_131 : vector<16xf32>
      %mul3A_135 = vector.broadcast %squeeze3A_133 : f32 to vector<16xf32>
      %mul3A_136 = arith.mulf %mul3A_134, %mul3A_135 : vector<16xf32>
      %add3A_137 = arith.addf %add3A_127, %mul3A_136 : vector<16xf32>
      %broadcast_in_dim3A_138 = arith.constant 11 : i32
      %broadcast_in_dim3A_139 = vector.broadcast %broadcast_in_dim3A_138 : i32 to vector<16xi32>
      %gather3A_140 = tpu.vector_load_idx %arg11[%add3A_27, %broadcast_in_dim3A_139] : memref<512x32xf32, #tpu.memory_space<vmem>>[vector<16xi32>, vector<16xi32>], vector<16xf32>,
      %gather3A_141 = tpu.vector_load_idx %arg12[%add3A_27, %broadcast_in_dim3A_139] : memref<512x32xf32, #tpu.memory_space<vmem>>[vector<16xi32>, vector<16xi32>], vector<16xf32>,
      %slice3A_142 = vector.extract_strided_slice %get3A_15 {offsets = [11], sizes = [1], strides = [1]} : vector<16xf32> to vector<1xf32>
      %squeeze3A_143 = vector.extract %slice3A_142[0] : f32 from vector<1xf32>
      %mul3A_144 = arith.mulf %gather3A_140, %gather3A_141 : vector<16xf32>
      %mul3A_145 = vector.broadcast %squeeze3A_143 : f32 to vector<16xf32>
      %mul3A_146 = arith.mulf %mul3A_144, %mul3A_145 : vector<16xf32>
      %add3A_147 = arith.addf %add3A_137, %mul3A_146 : vector<16xf32>
      %broadcast_in_dim3A_148 = arith.constant 12 : i32
      %broadcast_in_dim3A_149 = vector.broadcast %broadcast_in_dim3A_148 : i32 to vector<16xi32>
      %gather3A_150 = tpu.vector_load_idx %arg11[%add3A_27, %broadcast_in_dim3A_149] : memref<512x32xf32, #tpu.memory_space<vmem>>[vector<16xi32>, vector<16xi32>], vector<16xf32>,
      %gather3A_151 = tpu.vector_load_idx %arg12[%add3A_27, %broadcast_in_dim3A_149] : memref<512x32xf32, #tpu.memory_space<vmem>>[vector<16xi32>, vector<16xi32>], vector<16xf32>,
      %slice3A_152 = vector.extract_strided_slice %get3A_15 {offsets = [12], sizes = [1], strides = [1]} : vector<16xf32> to vector<1xf32>
      %squeeze3A_153 = vector.extract %slice3A_152[0] : f32 from vector<1xf32>
      %mul3A_154 = arith.mulf %gather3A_150, %gather3A_151 : vector<16xf32>
      %mul3A_155 = vector.broadcast %squeeze3A_153 : f32 to vector<16xf32>
      %mul3A_156 = arith.mulf %mul3A_154, %mul3A_155 : vector<16xf32>
      %add3A_157 = arith.addf %add3A_147, %mul3A_156 : vector<16xf32>
      %broadcast_in_dim3A_158 = arith.constant 13 : i32
      %broadcast_in_dim3A_159 = vector.broadcast %broadcast_in_dim3A_158 : i32 to vector<16xi32>
      %gather3A_160 = tpu.vector_load_idx %arg11[%add3A_27, %broadcast_in_dim3A_159] : memref<512x32xf32, #tpu.memory_space<vmem>>[vector<16xi32>, vector<16xi32>], vector<16xf32>,
      %gather3A_161 = tpu.vector_load_idx %arg12[%add3A_27, %broadcast_in_dim3A_159] : memref<512x32xf32, #tpu.memory_space<vmem>>[vector<16xi32>, vector<16xi32>], vector<16xf32>,
      %slice3A_162 = vector.extract_strided_slice %get3A_15 {offsets = [13], sizes = [1], strides = [1]} : vector<16xf32> to vector<1xf32>
      %squeeze3A_163 = vector.extract %slice3A_162[0] : f32 from vector<1xf32>
      %mul3A_164 = arith.mulf %gather3A_160, %gather3A_161 : vector<16xf32>
      %mul3A_165 = vector.broadcast %squeeze3A_163 : f32 to vector<16xf32>
      %mul3A_166 = arith.mulf %mul3A_164, %mul3A_165 : vector<16xf32>
      %add3A_167 = arith.addf %add3A_157, %mul3A_166 : vector<16xf32>
      %broadcast_in_dim3A_168 = arith.constant 14 : i32
      %broadcast_in_dim3A_169 = vector.broadcast %broadcast_in_dim3A_168 : i32 to vector<16xi32>
      %gather3A_170 = tpu.vector_load_idx %arg11[%add3A_27, %broadcast_in_dim3A_169] : memref<512x32xf32, #tpu.memory_space<vmem>>[vector<16xi32>, vector<16xi32>], vector<16xf32>,
      %gather3A_171 = tpu.vector_load_idx %arg12[%add3A_27, %broadcast_in_dim3A_169] : memref<512x32xf32, #tpu.memory_space<vmem>>[vector<16xi32>, vector<16xi32>], vector<16xf32>,
      %slice3A_172 = vector.extract_strided_slice %get3A_15 {offsets = [14], sizes = [1], strides = [1]} : vector<16xf32> to vector<1xf32>
      %squeeze3A_173 = vector.extract %slice3A_172[0] : f32 from vector<1xf32>
      %mul3A_174 = arith.mulf %gather3A_170, %gather3A_171 : vector<16xf32>
      %mul3A_175 = vector.broadcast %squeeze3A_173 : f32 to vector<16xf32>
      %mul3A_176 = arith.mulf %mul3A_174, %mul3A_175 : vector<16xf32>
      %add3A_177 = arith.addf %add3A_167, %mul3A_176 : vector<16xf32>
      %broadcast_in_dim3A_178 = arith.constant 15 : i32
      %broadcast_in_dim3A_179 = vector.broadcast %broadcast_in_dim3A_178 : i32 to vector<16xi32>
      %gather3A_180 = tpu.vector_load_idx %arg11[%add3A_27, %broadcast_in_dim3A_179] : memref<512x32xf32, #tpu.memory_space<vmem>>[vector<16xi32>, vector<16xi32>], vector<16xf32>,
      %gather3A_181 = tpu.vector_load_idx %arg12[%add3A_27, %broadcast_in_dim3A_179] : memref<512x32xf32, #tpu.memory_space<vmem>>[vector<16xi32>, vector<16xi32>], vector<16xf32>,
      %slice3A_182 = vector.extract_strided_slice %get3A_15 {offsets = [15], sizes = [1], strides = [1]} : vector<16xf32> to vector<1xf32>
      %squeeze3A_183 = vector.extract %slice3A_182[0] : f32 from vector<1xf32>
      %mul3A_184 = arith.mulf %gather3A_180, %gather3A_181 : vector<16xf32>
      %mul3A_185 = vector.broadcast %squeeze3A_183 : f32 to vector<16xf32>
      %mul3A_186 = arith.mulf %mul3A_184, %mul3A_185 : vector<16xf32>
      %add3A_187 = arith.addf %add3A_177, %mul3A_186 : vector<16xf32>
      %broadcast_in_dim3A_188 = arith.constant 16 : i32
      %broadcast_in_dim3A_189 = vector.broadcast %broadcast_in_dim3A_188 : i32 to vector<16xi32>
      %gather3A_190 = tpu.vector_load_idx %arg11[%add3A_27, %broadcast_in_dim3A_189] : memref<512x32xf32, #tpu.memory_space<vmem>>[vector<16xi32>, vector<16xi32>], vector<16xf32>,
      %gather3A_191 = tpu.vector_load_idx %arg12[%add3A_27, %broadcast_in_dim3A_189] : memref<512x32xf32, #tpu.memory_space<vmem>>[vector<16xi32>, vector<16xi32>], vector<16xf32>,
      %slice3A_192 = vector.extract_strided_slice %get3A_17 {offsets = [0], sizes = [1], strides = [1]} : vector<16xf32> to vector<1xf32>
      %squeeze3A_193 = vector.extract %slice3A_192[0] : f32 from vector<1xf32>
      %mul3A_194 = arith.mulf %gather3A_190, %gather3A_191 : vector<16xf32>
      %mul3A_195 = vector.broadcast %squeeze3A_193 : f32 to vector<16xf32>
      %mul3A_196 = arith.mulf %mul3A_194, %mul3A_195 : vector<16xf32>
      %add3A_197 = arith.addf %add3A_187, %mul3A_196 : vector<16xf32>
      %broadcast_in_dim3A_198 = arith.constant 17 : i32
      %broadcast_in_dim3A_199 = vector.broadcast %broadcast_in_dim3A_198 : i32 to vector<16xi32>
      %gather3A_200 = tpu.vector_load_idx %arg11[%add3A_27, %broadcast_in_dim3A_199] : memref<512x32xf32, #tpu.memory_space<vmem>>[vector<16xi32>, vector<16xi32>], vector<16xf32>,
      %gather3A_201 = tpu.vector_load_idx %arg12[%add3A_27, %broadcast_in_dim3A_199] : memref<512x32xf32, #tpu.memory_space<vmem>>[vector<16xi32>, vector<16xi32>], vector<16xf32>,
      %slice3A_202 = vector.extract_strided_slice %get3A_17 {offsets = [1], sizes = [1], strides = [1]} : vector<16xf32> to vector<1xf32>
      %squeeze3A_203 = vector.extract %slice3A_202[0] : f32 from vector<1xf32>
      %mul3A_204 = arith.mulf %gather3A_200, %gather3A_201 : vector<16xf32>
      %mul3A_205 = vector.broadcast %squeeze3A_203 : f32 to vector<16xf32>
      %mul3A_206 = arith.mulf %mul3A_204, %mul3A_205 : vector<16xf32>
      %add3A_207 = arith.addf %add3A_197, %mul3A_206 : vector<16xf32>
      %broadcast_in_dim3A_208 = arith.constant 18 : i32
      %broadcast_in_dim3A_209 = vector.broadcast %broadcast_in_dim3A_208 : i32 to vector<16xi32>
      %gather3A_210 = tpu.vector_load_idx %arg11[%add3A_27, %broadcast_in_dim3A_209] : memref<512x32xf32, #tpu.memory_space<vmem>>[vector<16xi32>, vector<16xi32>], vector<16xf32>,
      %gather3A_211 = tpu.vector_load_idx %arg12[%add3A_27, %broadcast_in_dim3A_209] : memref<512x32xf32, #tpu.memory_space<vmem>>[vector<16xi32>, vector<16xi32>], vector<16xf32>,
      %slice3A_212 = vector.extract_strided_slice %get3A_17 {offsets = [2], sizes = [1], strides = [1]} : vector<16xf32> to vector<1xf32>
      %squeeze3A_213 = vector.extract %slice3A_212[0] : f32 from vector<1xf32>
      %mul3A_214 = arith.mulf %gather3A_210, %gather3A_211 : vector<16xf32>
      %mul3A_215 = vector.broadcast %squeeze3A_213 : f32 to vector<16xf32>
      %mul3A_216 = arith.mulf %mul3A_214, %mul3A_215 : vector<16xf32>
      %add3A_217 = arith.addf %add3A_207, %mul3A_216 : vector<16xf32>
      %broadcast_in_dim3A_218 = arith.constant 19 : i32
      %broadcast_in_dim3A_219 = vector.broadcast %broadcast_in_dim3A_218 : i32 to vector<16xi32>
      %gather3A_220 = tpu.vector_load_idx %arg11[%add3A_27, %broadcast_in_dim3A_219] : memref<512x32xf32, #tpu.memory_space<vmem>>[vector<16xi32>, vector<16xi32>], vector<16xf32>,
      %gather3A_221 = tpu.vector_load_idx %arg12[%add3A_27, %broadcast_in_dim3A_219] : memref<512x32xf32, #tpu.memory_space<vmem>>[vector<16xi32>, vector<16xi32>], vector<16xf32>,
      %slice3A_222 = vector.extract_strided_slice %get3A_17 {offsets = [3], sizes = [1], strides = [1]} : vector<16xf32> to vector<1xf32>
      %squeeze3A_223 = vector.extract %slice3A_222[0] : f32 from vector<1xf32>
      %mul3A_224 = arith.mulf %gather3A_220, %gather3A_221 : vector<16xf32>
      %mul3A_225 = vector.broadcast %squeeze3A_223 : f32 to vector<16xf32>
      %mul3A_226 = arith.mulf %mul3A_224, %mul3A_225 : vector<16xf32>
      %add3A_227 = arith.addf %add3A_217, %mul3A_226 : vector<16xf32>
      %broadcast_in_dim3A_228 = arith.constant 20 : i32
      %broadcast_in_dim3A_229 = vector.broadcast %broadcast_in_dim3A_228 : i32 to vector<16xi32>
      %gather3A_230 = tpu.vector_load_idx %arg11[%add3A_27, %broadcast_in_dim3A_229] : memref<512x32xf32, #tpu.memory_space<vmem>>[vector<16xi32>, vector<16xi32>], vector<16xf32>,
      %gather3A_231 = tpu.vector_load_idx %arg12[%add3A_27, %broadcast_in_dim3A_229] : memref<512x32xf32, #tpu.memory_space<vmem>>[vector<16xi32>, vector<16xi32>], vector<16xf32>,
      %slice3A_232 = vector.extract_strided_slice %get3A_17 {offsets = [4], sizes = [1], strides = [1]} : vector<16xf32> to vector<1xf32>
      %squeeze3A_233 = vector.extract %slice3A_232[0] : f32 from vector<1xf32>
      %mul3A_234 = arith.mulf %gather3A_230, %gather3A_231 : vector<16xf32>
      %mul3A_235 = vector.broadcast %squeeze3A_233 : f32 to vector<16xf32>
      %mul3A_236 = arith.mulf %mul3A_234, %mul3A_235 : vector<16xf32>
      %add3A_237 = arith.addf %add3A_227, %mul3A_236 : vector<16xf32>
      %broadcast_in_dim3A_238 = arith.constant 21 : i32
      %broadcast_in_dim3A_239 = vector.broadcast %broadcast_in_dim3A_238 : i32 to vector<16xi32>
      %gather3A_240 = tpu.vector_load_idx %arg11[%add3A_27, %broadcast_in_dim3A_239] : memref<512x32xf32, #tpu.memory_space<vmem>>[vector<16xi32>, vector<16xi32>], vector<16xf32>,
      %gather3A_241 = tpu.vector_load_idx %arg12[%add3A_27, %broadcast_in_dim3A_239] : memref<512x32xf32, #tpu.memory_space<vmem>>[vector<16xi32>, vector<16xi32>], vector<16xf32>,
      %slice3A_242 = vector.extract_strided_slice %get3A_17 {offsets = [5], sizes = [1], strides = [1]} : vector<16xf32> to vector<1xf32>
      %squeeze3A_243 = vector.extract %slice3A_242[0] : f32 from vector<1xf32>
      %mul3A_244 = arith.mulf %gather3A_240, %gather3A_241 : vector<16xf32>
      %mul3A_245 = vector.broadcast %squeeze3A_243 : f32 to vector<16xf32>
      %mul3A_246 = arith.mulf %mul3A_244, %mul3A_245 : vector<16xf32>
      %add3A_247 = arith.addf %add3A_237, %mul3A_246 : vector<16xf32>
      %broadcast_in_dim3A_248 = arith.constant 22 : i32
      %broadcast_in_dim3A_249 = vector.broadcast %broadcast_in_dim3A_248 : i32 to vector<16xi32>
      %gather3A_250 = tpu.vector_load_idx %arg11[%add3A_27, %broadcast_in_dim3A_249] : memref<512x32xf32, #tpu.memory_space<vmem>>[vector<16xi32>, vector<16xi32>], vector<16xf32>,
      %gather3A_251 = tpu.vector_load_idx %arg12[%add3A_27, %broadcast_in_dim3A_249] : memref<512x32xf32, #tpu.memory_space<vmem>>[vector<16xi32>, vector<16xi32>], vector<16xf32>,
      %slice3A_252 = vector.extract_strided_slice %get3A_17 {offsets = [6], sizes = [1], strides = [1]} : vector<16xf32> to vector<1xf32>
      %squeeze3A_253 = vector.extract %slice3A_252[0] : f32 from vector<1xf32>
      %mul3A_254 = arith.mulf %gather3A_250, %gather3A_251 : vector<16xf32>
      %mul3A_255 = vector.broadcast %squeeze3A_253 : f32 to vector<16xf32>
      %mul3A_256 = arith.mulf %mul3A_254, %mul3A_255 : vector<16xf32>
      %add3A_257 = arith.addf %add3A_247, %mul3A_256 : vector<16xf32>
      %broadcast_in_dim3A_258 = arith.constant 23 : i32
      %broadcast_in_dim3A_259 = vector.broadcast %broadcast_in_dim3A_258 : i32 to vector<16xi32>
      %gather3A_260 = tpu.vector_load_idx %arg11[%add3A_27, %broadcast_in_dim3A_259] : memref<512x32xf32, #tpu.memory_space<vmem>>[vector<16xi32>, vector<16xi32>], vector<16xf32>,
      %gather3A_261 = tpu.vector_load_idx %arg12[%add3A_27, %broadcast_in_dim3A_259] : memref<512x32xf32, #tpu.memory_space<vmem>>[vector<16xi32>, vector<16xi32>], vector<16xf32>,
      %slice3A_262 = vector.extract_strided_slice %get3A_17 {offsets = [7], sizes = [1], strides = [1]} : vector<16xf32> to vector<1xf32>
      %squeeze3A_263 = vector.extract %slice3A_262[0] : f32 from vector<1xf32>
      %mul3A_264 = arith.mulf %gather3A_260, %gather3A_261 : vector<16xf32>
      %mul3A_265 = vector.broadcast %squeeze3A_263 : f32 to vector<16xf32>
      %mul3A_266 = arith.mulf %mul3A_264, %mul3A_265 : vector<16xf32>
      %add3A_267 = arith.addf %add3A_257, %mul3A_266 : vector<16xf32>
      %broadcast_in_dim3A_268 = arith.constant 24 : i32
      %broadcast_in_dim3A_269 = vector.broadcast %broadcast_in_dim3A_268 : i32 to vector<16xi32>
      %gather3A_270 = tpu.vector_load_idx %arg11[%add3A_27, %broadcast_in_dim3A_269] : memref<512x32xf32, #tpu.memory_space<vmem>>[vector<16xi32>, vector<16xi32>], vector<16xf32>,
      %gather3A_271 = tpu.vector_load_idx %arg12[%add3A_27, %broadcast_in_dim3A_269] : memref<512x32xf32, #tpu.memory_space<vmem>>[vector<16xi32>, vector<16xi32>], vector<16xf32>,
      %slice3A_272 = vector.extract_strided_slice %get3A_17 {offsets = [8], sizes = [1], strides = [1]} : vector<16xf32> to vector<1xf32>
      %squeeze3A_273 = vector.extract %slice3A_272[0] : f32 from vector<1xf32>
      %mul3A_274 = arith.mulf %gather3A_270, %gather3A_271 : vector<16xf32>
      %mul3A_275 = vector.broadcast %squeeze3A_273 : f32 to vector<16xf32>
      %mul3A_276 = arith.mulf %mul3A_274, %mul3A_275 : vector<16xf32>
      %add3A_277 = arith.addf %add3A_267, %mul3A_276 : vector<16xf32>
      %broadcast_in_dim3A_278 = arith.constant 25 : i32
      %broadcast_in_dim3A_279 = vector.broadcast %broadcast_in_dim3A_278 : i32 to vector<16xi32>
      %gather3A_280 = tpu.vector_load_idx %arg11[%add3A_27, %broadcast_in_dim3A_279] : memref<512x32xf32, #tpu.memory_space<vmem>>[vector<16xi32>, vector<16xi32>], vector<16xf32>,
      %gather3A_281 = tpu.vector_load_idx %arg12[%add3A_27, %broadcast_in_dim3A_279] : memref<512x32xf32, #tpu.memory_space<vmem>>[vector<16xi32>, vector<16xi32>], vector<16xf32>,
      %slice3A_282 = vector.extract_strided_slice %get3A_17 {offsets = [9], sizes = [1], strides = [1]} : vector<16xf32> to vector<1xf32>
      %squeeze3A_283 = vector.extract %slice3A_282[0] : f32 from vector<1xf32>
      %mul3A_284 = arith.mulf %gather3A_280, %gather3A_281 : vector<16xf32>
      %mul3A_285 = vector.broadcast %squeeze3A_283 : f32 to vector<16xf32>
      %mul3A_286 = arith.mulf %mul3A_284, %mul3A_285 : vector<16xf32>
      %add3A_287 = arith.addf %add3A_277, %mul3A_286 : vector<16xf32>
      %broadcast_in_dim3A_288 = arith.constant 26 : i32
      %broadcast_in_dim3A_289 = vector.broadcast %broadcast_in_dim3A_288 : i32 to vector<16xi32>
      %gather3A_290 = tpu.vector_load_idx %arg11[%add3A_27, %broadcast_in_dim3A_289] : memref<512x32xf32, #tpu.memory_space<vmem>>[vector<16xi32>, vector<16xi32>], vector<16xf32>,
      %gather3A_291 = tpu.vector_load_idx %arg12[%add3A_27, %broadcast_in_dim3A_289] : memref<512x32xf32, #tpu.memory_space<vmem>>[vector<16xi32>, vector<16xi32>], vector<16xf32>,
      %slice3A_292 = vector.extract_strided_slice %get3A_17 {offsets = [10], sizes = [1], strides = [1]} : vector<16xf32> to vector<1xf32>
      %squeeze3A_293 = vector.extract %slice3A_292[0] : f32 from vector<1xf32>
      %mul3A_294 = arith.mulf %gather3A_290, %gather3A_291 : vector<16xf32>
      %mul3A_295 = vector.broadcast %squeeze3A_293 : f32 to vector<16xf32>
      %mul3A_296 = arith.mulf %mul3A_294, %mul3A_295 : vector<16xf32>
      %add3A_297 = arith.addf %add3A_287, %mul3A_296 : vector<16xf32>
      %broadcast_in_dim3A_298 = arith.constant 27 : i32
      %broadcast_in_dim3A_299 = vector.broadcast %broadcast_in_dim3A_298 : i32 to vector<16xi32>
      %gather3A_300 = tpu.vector_load_idx %arg11[%add3A_27, %broadcast_in_dim3A_299] : memref<512x32xf32, #tpu.memory_space<vmem>>[vector<16xi32>, vector<16xi32>], vector<16xf32>,
      %gather3A_301 = tpu.vector_load_idx %arg12[%add3A_27, %broadcast_in_dim3A_299] : memref<512x32xf32, #tpu.memory_space<vmem>>[vector<16xi32>, vector<16xi32>], vector<16xf32>,
      %slice3A_302 = vector.extract_strided_slice %get3A_17 {offsets = [11], sizes = [1], strides = [1]} : vector<16xf32> to vector<1xf32>
      %squeeze3A_303 = vector.extract %slice3A_302[0] : f32 from vector<1xf32>
      %mul3A_304 = arith.mulf %gather3A_300, %gather3A_301 : vector<16xf32>
      %mul3A_305 = vector.broadcast %squeeze3A_303 : f32 to vector<16xf32>
      %mul3A_306 = arith.mulf %mul3A_304, %mul3A_305 : vector<16xf32>
      %add3A_307 = arith.addf %add3A_297, %mul3A_306 : vector<16xf32>
      %broadcast_in_dim3A_308 = arith.constant 28 : i32
      %broadcast_in_dim3A_309 = vector.broadcast %broadcast_in_dim3A_308 : i32 to vector<16xi32>
      %gather3A_310 = tpu.vector_load_idx %arg11[%add3A_27, %broadcast_in_dim3A_309] : memref<512x32xf32, #tpu.memory_space<vmem>>[vector<16xi32>, vector<16xi32>], vector<16xf32>,
      %gather3A_311 = tpu.vector_load_idx %arg12[%add3A_27, %broadcast_in_dim3A_309] : memref<512x32xf32, #tpu.memory_space<vmem>>[vector<16xi32>, vector<16xi32>], vector<16xf32>,
      %slice3A_312 = vector.extract_strided_slice %get3A_17 {offsets = [12], sizes = [1], strides = [1]} : vector<16xf32> to vector<1xf32>
      %squeeze3A_313 = vector.extract %slice3A_312[0] : f32 from vector<1xf32>
      %mul3A_314 = arith.mulf %gather3A_310, %gather3A_311 : vector<16xf32>
      %mul3A_315 = vector.broadcast %squeeze3A_313 : f32 to vector<16xf32>
      %mul3A_316 = arith.mulf %mul3A_314, %mul3A_315 : vector<16xf32>
      %add3A_317 = arith.addf %add3A_307, %mul3A_316 : vector<16xf32>
      %broadcast_in_dim3A_318 = arith.constant 29 : i32
      %broadcast_in_dim3A_319 = vector.broadcast %broadcast_in_dim3A_318 : i32 to vector<16xi32>
      %gather3A_320 = tpu.vector_load_idx %arg11[%add3A_27, %broadcast_in_dim3A_319] : memref<512x32xf32, #tpu.memory_space<vmem>>[vector<16xi32>, vector<16xi32>], vector<16xf32>,
      %gather3A_321 = tpu.vector_load_idx %arg12[%add3A_27, %broadcast_in_dim3A_319] : memref<512x32xf32, #tpu.memory_space<vmem>>[vector<16xi32>, vector<16xi32>], vector<16xf32>,
      %slice3A_322 = vector.extract_strided_slice %get3A_17 {offsets = [13], sizes = [1], strides = [1]} : vector<16xf32> to vector<1xf32>
      %squeeze3A_323 = vector.extract %slice3A_322[0] : f32 from vector<1xf32>
      %mul3A_324 = arith.mulf %gather3A_320, %gather3A_321 : vector<16xf32>
      %mul3A_325 = vector.broadcast %squeeze3A_323 : f32 to vector<16xf32>
      %mul3A_326 = arith.mulf %mul3A_324, %mul3A_325 : vector<16xf32>
      %add3A_327 = arith.addf %add3A_317, %mul3A_326 : vector<16xf32>
      %broadcast_in_dim3A_328 = arith.constant 30 : i32
      %broadcast_in_dim3A_329 = vector.broadcast %broadcast_in_dim3A_328 : i32 to vector<16xi32>
      %gather3A_330 = tpu.vector_load_idx %arg11[%add3A_27, %broadcast_in_dim3A_329] : memref<512x32xf32, #tpu.memory_space<vmem>>[vector<16xi32>, vector<16xi32>], vector<16xf32>,
      %gather3A_331 = tpu.vector_load_idx %arg12[%add3A_27, %broadcast_in_dim3A_329] : memref<512x32xf32, #tpu.memory_space<vmem>>[vector<16xi32>, vector<16xi32>], vector<16xf32>,
      %slice3A_332 = vector.extract_strided_slice %get3A_17 {offsets = [14], sizes = [1], strides = [1]} : vector<16xf32> to vector<1xf32>
      %squeeze3A_333 = vector.extract %slice3A_332[0] : f32 from vector<1xf32>
      %mul3A_334 = arith.mulf %gather3A_330, %gather3A_331 : vector<16xf32>
      %mul3A_335 = vector.broadcast %squeeze3A_333 : f32 to vector<16xf32>
      %mul3A_336 = arith.mulf %mul3A_334, %mul3A_335 : vector<16xf32>
      %add3A_337 = arith.addf %add3A_327, %mul3A_336 : vector<16xf32>
      %broadcast_in_dim3A_338 = arith.constant 31 : i32
      %broadcast_in_dim3A_339 = vector.broadcast %broadcast_in_dim3A_338 : i32 to vector<16xi32>
      %gather3A_340 = tpu.vector_load_idx %arg11[%add3A_27, %broadcast_in_dim3A_339] : memref<512x32xf32, #tpu.memory_space<vmem>>[vector<16xi32>, vector<16xi32>], vector<16xf32>,
      %gather3A_341 = tpu.vector_load_idx %arg12[%add3A_27, %broadcast_in_dim3A_339] : memref<512x32xf32, #tpu.memory_space<vmem>>[vector<16xi32>, vector<16xi32>], vector<16xf32>,
      %slice3A_342 = vector.extract_strided_slice %get3A_17 {offsets = [15], sizes = [1], strides = [1]} : vector<16xf32> to vector<1xf32>
      %squeeze3A_343 = vector.extract %slice3A_342[0] : f32 from vector<1xf32>
      %mul3A_344 = arith.mulf %gather3A_340, %gather3A_341 : vector<16xf32>
      %mul3A_345 = vector.broadcast %squeeze3A_343 : f32 to vector<16xf32>
      %mul3A_346 = arith.mulf %mul3A_344, %mul3A_345 : vector<16xf32>
      %add3A_347 = arith.addf %add3A_337, %mul3A_346 : vector<16xf32>
      %add3A_348 = vector.broadcast %squeeze3A : f32 to vector<16xf32>
      %add3A_349 = arith.addf %add3A_347, %add3A_348 : vector<16xf32>
      %neg3A = arith.constant 0.000000e+00 : f32
      %neg3A_350 = vector.broadcast %neg3A : f32 to vector<16xf32>
      %neg3A_351 = arith.subf %neg3A_350, %add3A_349 : vector<16xf32>
      %exp3A = math.exp %neg3A_351 : vector<16xf32>
      %add3A_352 = arith.constant 1.000000e+00 : f32
      %add3A_353 = vector.broadcast %add3A_352 : f32 to vector<16xf32>
      %add3A_354 = arith.addf %add3A_353, %exp3A : vector<16xf32>
      %div3A = arith.constant 1.000000e+00 : f32
      %div3A_355 = vector.broadcast %div3A : f32 to vector<16xf32>
      %div3A_356 = arith.divf %div3A_355, %add3A_354 : vector<16xf32>
      %mul3A_357 = arith.constant 16 : i32
      %mul3A_358 = arith.muli %scan3A_23, %mul3A_357 : i32
      %swap3A = arith.index_cast %mul3A_358 : i32 to index
      %swap3A_359 = tpu.vector_load %arg15[%swap3A] {strides = array<i32>} : memref<512xf32, #tpu.memory_space<vmem>>, vector<16xf32>,
      tpu.vector_store %arg15[%swap3A], %div3A_356 {strides = array<i32>} : memref<512xf32, #tpu.memory_space<vmem>>, vector<16xf32>,
    }
    %scan3A_22 = arith.constant 32 : i32
    "tpu.region"() ({
      %run_scoped3A = tpu.sem_alloc : memref<!tpu.dma_semaphore, #tpu.memory_space<semaphore_mem>>
      %dma_start3A_23 = tpu.memref_slice %arg8[%mul3A_2] : memref<16384xf32, #tpu.memory_space<hbm>> -> memref<512xf32, #tpu.memory_space<hbm>>
      %dma_start3A_24 = tpu.memref_slice %arg8[%mul3A_2] : memref<16384xf32, #tpu.memory_space<hbm>> -> memref<512xf32, #tpu.memory_space<hbm>>
      tpu.enqueue_dma source(%arg15 : memref<512xf32, #tpu.memory_space<vmem>>) target(%dma_start3A_24 : memref<512xf32, #tpu.memory_space<hbm>>) target_semaphore(%run_scoped3A : memref<!tpu.dma_semaphore, #tpu.memory_space<semaphore_mem>>)
      %dma_wait3A_25 = tpu.memref_slice %arg8[%mul3A_2] : memref<16384xf32, #tpu.memory_space<hbm>> -> memref<512xf32, #tpu.memory_space<hbm>>
      %dma_wait3A_26 = tpu.memref_slice %arg8[%mul3A_2] : memref<16384xf32, #tpu.memory_space<hbm>> -> memref<512xf32, #tpu.memory_space<hbm>>
      tpu.wait_dma2 semaphore(%run_scoped3A : memref<!tpu.dma_semaphore, #tpu.memory_space<semaphore_mem>>) src(%arg15 : memref<512xf32, #tpu.memory_space<vmem>>) dst(%dma_wait3A_26 : memref<512xf32, #tpu.memory_space<hbm>>)
      tpu.yield
    }) : () -> ()
    return
  }
}

</mosaic_0001>

<sc_bundles>
// kernel: _gmf_sc.3.cloned.1.call-start
scs
__scs_entry_jumppad:
0x0: {  	(pc) =	sbr.rel $0x88, $3  }
0x1: {  	(tag) =	ssettag $0x0;
	lr =	simm.s32 $0x1  }
0x2: {  	[smem:$0x3F9B] =	sst lr;
	_ =	strace $0xD0000000  }
0x3: {  	_ = 	snop  }
0x4: {  	_ = 	snop  }
0x5: {  	_ = 	snop  }
0x6: {  	_ = 	snop  }
0x7: {  	_ = 	snop  }
__scs_overlays_trampoline_lowered:
0x8: {  	[smem:$0x3FAA] =	sst s0  }
0x9: {  	[smem:$0x3FAB] =	sst s1  }
0xa: {  	[smem:$0x3FAC] =	sst s2  }
0xb: {  	[smem:$0x3FAD] =	sst s3  }
0xc: {  	[smem:$0x3FAE] =	sst s4  }
0xd: {  	[smem:$0x3FAF] =	sst s5  }
0xe: {  	[smem:$0x3FB0] =	sst s6  }
0xf: {  	[smem:$0x3FB1] =	sst s7  }
0x10: {  	[smem:$0x3FB2] =	sst s8  }
0x11: {  	[smem:$0x3FB3] =	sst s9;
	s0 =	simm.s32 @!p0 $0x0  }
0x12: {  	s1 =	sld [smem:$0x3F99];
	s0 =	simm.s32 @p0 $0x1  }
0x13: {  	[smem:$0x3FB4] =	sst s0;
	s0 =	simm.s32 @!p1 $0x0  }
0x14: {  	s2 =	sld [smem:$0x3F98];
	s0 =	simm.s32 @p1 $0x1  }
0x15: {  	[smem:$0x3FB5] =	sst s0;
	s0 =	simm.s32 @!p2 $0x0  }
0x16: {  	s3 =	sld [smem:$0x3FDB];
	s0 =	simm.s32 @p2 $0x1  }
0x17: {  	s4 =	simm.s32 $0x1BF5;
	[smem:$0x3FB7] =	sst s0  }
0x18: {  	s0 =	sld [smem:$0x3F9A];
	_ =	swait.ge [sflag:s4], $0x0  }
0x19: {  	s7 =	sld [smem:$0x3F9B]  }
0x1a: {  	s8 =	sadd.s32 $0xFFFFE003, lr  }
0x1b: {  	s9 =	sadd.s32 $0xFFFFFEF7, lr;
	s5 =	simm.s32 $0xFFFFFFFF;
	p2 =	slt.u32 s8, $0xFFFFF086  }
0x1c: {  	p1 =	slt.u32 s9, $0xF7A;
	s5 =	simm.s32 @!p2 $0x0  }
0x1d: {  	s5 =	simm.s32 @p1 $0x1;
	p0 =	seq.s32 s7, s2  }
0x1e: {  	s7 =	smul.u32 @!p0 $0xF7A, s2;
	p2 =	seq.s32 @!p0 s5, $0x0  }
0x1f: {  	s9 =	smul.u32 $0xF7A, s1;
	s8 =	simm.s32 @!p0 $0x1BF5;
	p2 =	por !p2, p0  }
0x20: {  	[sflag:s8] =	ssyncset.s32 @!p0 $0xFFFFF086;
	s6 =	sadd.s32 @!p0 s3, s7;
	s7 =	simm.s32 @!p0 $0x108  }
0x21: {  	s3 =	sadd.s32 s3, s9;
	s6 =	sadd.s32 @!p0 $0x88, s6;
	s7 =	simm.s32 @p2 $0x1082  }
0x22: {  	[simem:s7], [sflag:s8] =	dma.local @!p0 [hbm:s6], $0xF7A  }
0x23: {  	s9 =	sor.u32 $0xD0000000, s2;
	s6 =	simm.s32 $0x108;
	_ =	swait.ge @!p0 [sflag:s8], $0x0  }
0x24: {  	s3 =	sadd.s32 $0x88, s3;
	s6 =	simm.s32 @!p1 $0x1082;
	[sflag:s4] =	ssyncset.s32 $0xFFFFF086  }
0x25: {  	[simem:s6], [sflag:s4] =	dma.local [hbm:s3], $0xF7A  }
0x26: {  	[smem:$0x3F9B] =	sst s1;
	(tag) =	ssettag s2;
	_ =	strace s9  }
0x27: {  	s1 =	sld [smem:$0x3FAB]  }
0x28: {  	s2 =	sld [smem:$0x3FAC]  }
0x29: {  	s4 =	sld [smem:$0x3FAE]  }
0x2a: {  	p0 =	seq.s32 s5, $0x0;
	s5 =	sld [smem:$0x3FAF]  }
0x2b: {  	s6 =	sld [smem:$0x3FB0]  }
0x2c: {  	s7 =	sld [smem:$0x3FB1]  }
0x2d: {  	s3 =	simm.s32 $0x108;
	s8 =	sld [smem:$0x3FB2]  }
0x2e: {  	s3 =	simm.s32 @!p0 $0x1082;
	s9 =	sld [smem:$0x3FB3]  }
0x2f: {  	lr =	sadd.s32 s0, s3;
	s0 =	sld [smem:$0x3FAA]  }
0x30: {  	s3 =	sld [smem:$0x3FAD]  }
0x31: {  	[smem:$0x3FB6] =	sst s10  }
0x32: {  	s10 =	sld [smem:$0x3FB4];
	_ =	sdelay $0x3  }
0x33: {  	p0 =	seq.s32 s10, $0x1;
	s10 =	sld [smem:$0x3FB6];
	_ =	sdelay $0x3  }
0x34: {  	[smem:$0x3FB6] =	sst s10  }
0x35: {  	s10 =	sld [smem:$0x3FB5];
	_ =	sdelay $0x3  }
0x36: {  	p1 =	seq.s32 s10, $0x1;
	s10 =	sld [smem:$0x3FB6];
	_ =	sdelay $0x3  }
0x37: {  	[smem:$0x3FB6] =	sst s10  }
0x38: {  	s10 =	sld [smem:$0x3FB7]  }
0x39: {  	_ = 	snop;
	(pc) =	sbr.ind lr, $3  }
0x3a: {  	_ = 	snop  }
0x3b: {  	_ = 	snop  }
0x3c: {  	p2 =	seq.s32 s10, $0x1;
	s10 =	sld [smem:$0x3FB6]  }
0x3d: {  	_ =	shalt  }
0x3e: {  	_ =	shalt  }
0x3f: {  	_ =	shalt  }
0x40: {  	_ =	shalt  }
0x41: {  	_ =	shalt  }
0x42: {  	_ =	shalt  }
0x43: {  	_ =	shalt  }
0x44: {  	_ =	shalt  }
0x45: {  	_ =	shalt  }
0x46: {  	_ =	shalt  }
0x47: {  	_ =	shalt  }
0x48: {  	_ =	shalt  }
0x49: {  	_ =	shalt  }
0x4a: {  	_ =	shalt  }
0x4b: {  	_ =	shalt  }
0x4c: {  	_ =	shalt  }
0x4d: {  	_ =	shalt  }
0x4e: {  	_ =	shalt  }
0x4f: {  	_ =	shalt  }
0x50: {  	_ =	shalt  }
0x51: {  	_ =	shalt  }
0x52: {  	_ =	shalt  }
0x53: {  	_ =	shalt  }
0x54: {  	_ =	shalt  }
0x55: {  	_ =	shalt  }
0x56: {  	_ =	shalt  }
0x57: {  	_ =	shalt  }
0x58: {  	_ =	shalt  }
0x59: {  	_ =	shalt  }
0x5a: {  	_ =	shalt  }
0x5b: {  	_ =	shalt  }
0x5c: {  	_ =	shalt  }
0x5d: {  	_ =	shalt  }
0x5e: {  	_ =	shalt  }
0x5f: {  	_ =	shalt  }
0x60: {  	_ =	shalt  }
0x61: {  	_ =	shalt  }
0x62: {  	_ =	shalt  }
0x63: {  	_ =	shalt  }
0x64: {  	_ =	shalt  }
0x65: {  	_ =	shalt  }
0x66: {  	_ =	shalt  }
0x67: {  	_ =	shalt  }
0x68: {  	_ =	shalt  }
0x69: {  	_ =	shalt  }
0x6a: {  	_ =	shalt  }
0x6b: {  	_ =	shalt  }
0x6c: {  	_ =	shalt  }
0x6d: {  	_ =	shalt  }
0x6e: {  	_ =	shalt  }
0x6f: {  	_ =	shalt  }
0x70: {  	_ =	shalt  }
0x71: {  	_ =	shalt  }
0x72: {  	_ =	shalt  }
0x73: {  	_ =	shalt  }
0x74: {  	_ =	shalt  }
0x75: {  	_ =	shalt  }
0x76: {  	_ =	shalt  }
0x77: {  	_ =	shalt  }
0x78: {  	_ =	shalt  }
0x79: {  	_ =	shalt  }
0x7a: {  	_ =	shalt  }
0x7b: {  	_ =	shalt  }
0x7c: {  	_ =	shalt  }
0x7d: {  	_ =	shalt  }
0x7e: {  	_ =	shalt  }
0x7f: {  	_ =	shalt  }
0x80: {  	_ =	shalt  }
0x81: {  	_ =	shalt  }
0x82: {  	_ =	shalt  }
0x83: {  	_ =	shalt  }
0x84: {  	_ =	shalt  }
0x85: {  	_ =	shalt  }
0x86: {  	_ =	shalt  }
0x87: {  	_ =	shalt  }
.Lfunc_end0:
.L_simem_size_0:
called_computation_lowered:
.L_overlay_start_0:
0x88: {  	s2 =	sld [smem:$0x3FD9]  }
0x89: {  	s3 =	sld [smem:$0x3FFE];
	_ =	sdelay $0x1  }
0x8a: {  	s1 =	srdreg.scid  }
0x8b: {  	s0 =	sand.u32 $0x1, s1  }
0x8c: {  	s17 =	sshll.u32 s0, $0xA;
	s2 =	sadd.s32 s3, s2  }
0x8d: {  	s2 =	sadd.s32 s2, s17  }
0x8e: {  	[smem:$0x3FC2] =	sst s2  }
0x8f: {  	_ = 	snop  }
0x90: {  	s2 =	sld [smem:$0x3FC9]  }
0x91: {  	s18 =	sld [smem:$0x3FC8]  }
0x92: {  	s4 =	sld [smem:$0x3FC5]  }
0x93: {  	s5 =	sld [smem:$0x3FC4]  }
0x94: {  	s6 =	sld [smem:$0x3FD0];
	(tm) =	ssettm $0x1  }
0x95: {  	s7 =	sld [smem:$0x3FFB];
	_ =	sdelay $0x3  }
0x96: {  	_ =	strace s7  }
0x97: {  	s7 =	sld [smem:$0x3FFC];
	_ =	sdelay $0x3  }
0x98: {  	_ =	strace s7  }
0x99: {  	s7 =	sld [smem:$0x3FFD];
	_ =	sdelay $0x3  }
0x9a: {  	_ =	strace s7  }
0x9b: {  	_ =	strace $0x8FFFFFFF  }
0x9c: {  	s19 =	sld [smem:$0x3FDB];
	_ =	sdelay $0x1  }
0x9d: {  	s8 =	simm.s32 $_scs_section_size  }
0x9e: {  	s9 =	simm.s32 $_size__tile_overlayer_lowered;
	s10 =	simm.s32 $_tile_overlayer_lowered  }
0x9f: {  	s22 =	simm.s32 $0x1BFF;
	s21 =	sshll.u32 s10, $0x1;
	s7 =	sadd.s32 s8, s19  }
0xa0: {  	s11 =	simm.s32 $0x0;
	s20 =	sshll.u32 s9, $0x1;
	s9 =	sadd.s32 s21, s7  }
0xa1: {  	[timem:s11], [sflag:s22] =	dma.local [hbm:s9], s20  }
0xa2: {  	_ =	swait.ge [sflag:s22], s20  }
0xa3: {  	s8 =	ssub.s32 $0x0, s20;
	[sflag:s22] =	ssyncset.done $0x0  }
0xa4: {  	[sflag:s22] =	ssyncadd.s32 s8;
	_ =	sdelay $0x1  }
0xa5: {  	s23 =	simm.s32 $0x1B8B  }
0xa6: {  	_ =	swait.ge [sflag:s23], $0x1  }
0xa7: {  	[sflag:s23] =	ssyncset.done $0x0  }
0xa8: {  	s25 =	simm.s32 $0x1B8E;
	s24 =	sld [smem:$0x3FFE];
	[sflag:s23] =	ssyncadd.s32 $0xFFFFFFFF  }
0xa9: {  	s26 =	simm.s32 $execute0_lowered;
	[smem:$0x3FD2] =	sst s25  }
0xaa: {  	s9 =	sshll.u32 s26, $0x1;
	_ =	strace $0x80000046;
	[dreg:$0x1] =	wrdreg $0xFFFFFFFF  }
0xab: {  	s28 =	simm.s32 $_size_execute0_lowered;
	s7 =	sadd.s32 s7, s9;
	[dreg:$0x0] =	wrdreg $0x0  }
0xac: {  	s9 =	sshll.u32 s28, $0x1;
	[dreg:$0x2] =	wrdreg s7  }
0xad: {  	[dreg:$0x3] =	wrdreg s9  }
0xae: {  	[dreg:$0x4] =	wrdreg $0xC0  }
0xaf: {  	_ =	task [dreg:s11], $0x5FFFF  }
0xb0: {  	[dreg:$0x1] =	wrdreg $0xFFFFFFFF  }
0xb1: {  	[dreg:$0x0] =	wrdreg $0x60  }
0xb2: {  	[dreg:$0x2] =	wrdreg s2  }
0xb3: {  	[dreg:$0x3] =	wrdreg s18  }
0xb4: {  	[dreg:$0x4] =	wrdreg s24  }
0xb5: {  	[dreg:$0x5] =	wrdreg s4  }
0xb6: {  	[dreg:$0x6] =	wrdreg s5  }
0xb7: {  	[dreg:$0x7] =	wrdreg s6  }
0xb8: {  	[dreg:$0x8] =	wrdreg $0x9  }
0xb9: {  	_ =	task.clear_ibuf [dreg:s11], $0x9FFFF;
	_ =	strace $0x90000046  }
0xba: {  	s29 =	simm.s32 $0x9;
	_ =	strace $0x80000048  }
0xbb: {  	_ =	swait.ge [sflag:s29], $0x1  }
0xbc: {  	[sflag:s29] =	ssyncadd.s32 $0xFFFFFFFF  }
0xbd: {  	_ =	strace $0x90000048  }
0xbe: {  	_ =	sfence  }
0xbf: {  	s30 =	sld [smem:$0x0];
	_ =	sdelay $0x2  }
0xc0: {  	s31 =	sshll.u32 s1, $0xD;
	s1 =	sshrl.u32 s1, $0x2  }
0xc1: {  	s3 =	sand.u32 $0x4000, s31;
	s1 =	sadd.s32 s1, s30  }
0xc2: {  	s0 =	sor.u32 s3, s0;
	s1 =	sshll.u32 s1, $0x11  }
0xc3: {  	s0 =	sor.u32 s1, s0  }
0xc4: {  	s0 =	sadd.s32 $0x8F2B, s0  }
0xc5: {  	[sflag:s0] =	ssyncadd.remote.s32 $0x1  }
0xc6: {  	_ =	sfence.sel $0xFFFF  }
0xc7: {  	[dreg:$0x0] =	wrdreg $0xFFFFFFFF;
	(pc) =	sbr.abs _section_cstart, $3  }
0xc8: {  	[dreg:$0x1] =	wrdreg $0xFFFFFFFF  }
0xc9: {  	_ =	task.clear_ibuf [dreg:s11], $0x2FFFF;
	_ =	strace $0x9FFFFFFF  }
0xca: {  	(tm) =	ssettm $0x7FFFFFFF  }
0xcb: {  	_ =	shalt  }
tec
execute0_lowered:
.L_overlay_start_1:
0x0: {  	(tag) =	ssettag $0x1  }
0x1: {  	s7 =	rddreg [dreg:$0x0]  }
0x2: {  	s8 =	rddreg [dreg:$0x1]  }
0x3: {  	s6 =	rddreg [dreg:$0x2]  }
0x4: {  	s1 =	rddreg [dreg:$0x3]  }
0x5: {  	s2 =	rddreg [dreg:$0x4]  }
0x6: {  	s9 =	rddreg [dreg:$0x5]  }
0x7: {  	s0 =	rddreg [dreg:$0x6];
	s3 =	simm.s32 $0x0  }
0x8: {  	s10 =	srdreg.scid;
	s4 =	stileid.u32;
	s14 =	simm.s32 $0x4400  }
0x9: {  	s15 =	simm.s32 $0x8400;
	s16 =	simm.s32 $0x8420;
	s17 =	simm.s32 $0x1  }
0xa: {  	s18 =	simm.s32 $0x2;
	s19 =	simm.s32 $0x8430;
	s20 =	simm.s32 $0x0  }
0xb: {  	[smem:$0x7FF] =	sst s3;
	s5 =	sadd.s32 $0xF42800, s6;
	s10 =	sand.u32 $0x1, s10  }
0xc: {  	s12 =	sshll.u32 s4, $0x7;
	s6 =	sadd.s32 $0x1313200, s6;
	s11 =	ssub.s32 $0x2, s10  }
0xd: {  	_ =	strace $0x80000047;
	s10 =	sshll.u32 s10, $0x6;
	s13 =	sshrl.u32 s11, $0x1  }
0xe: {  	v0 =	vlaneseq.u32;
	s10 =	sor.u32 s10, s12;
	s12 =	simm.s32 $0x200;
	s11 =	ssub.s32 s11, s13  }
0xf: {  	v0 =	vmul.u32 $0x20, v0;
	s7 =	sadd.s32 s7, s10;
	s8 =	sadd.s32 s8, s10;
	s9 =	sadd.s32 s9, s10  }
0x10: {  	s13 =	simm.s32 $0x400;
	s10 =	smax.u32 s11, $0x1;
	s11 =	simm.s32 $0x3  }
.LBB2_1:
0x11: {  	[tilespmem:s3], [sflag:$0x3] =	stream.linear.gather [hbm4b:s7+s3], $0x200, $0x38;
	[tilespmem:$0x8630] =	vst v63  }
0x12: {  	_ =	swait.ge [sflag:s11], $0x200  }
0x13: {  	[sflag:s11] =	ssyncset.done $0x0  }
0x14: {  	[sflag:s11] =	ssyncadd.s32 $0xFFFFFE00  }
0x15: {  	[tilespmem:s12], [sflag:$0x3] =	stream.linear.gather [hbm4b:s8+s3], $0x200, $0x38;
	[tilespmem:$0x8630] =	vst v63  }
0x16: {  	_ =	swait.ge [sflag:s11], $0x200  }
0x17: {  	[sflag:s11] =	ssyncset.done $0x0  }
0x18: {  	[sflag:s11] =	ssyncadd.s32 $0xFFFFFE00  }
0x19: {  	[tilespmem:s13], [sflag:$0x1] =	stream.indirect.gather [hbm4b:s5+s12], $0x20, s3, s12, $0xb8;
	[tilespmem:$0x8630] =	vst v63  }
0x1a: {  	_ = 	snop  }
0x1b: {  	[tilespmem:s14], [sflag:$0x2] =	stream.indirect.gather [hbm4b:s6+s12], $0x20, s12, s12, $0xb8;
	[tilespmem:$0x8630] =	vst v63  }
0x1c: {  	_ = 	snop  }
0x1d: {  	[tilespmem:s15], [sflag:$0x3] =	stream.linear.gather [hbm4b:s1+s3], $0x20, $0x38;
	[tilespmem:$0x8630] =	vst v63  }
0x1e: {  	_ =	swait.ge [sflag:s11], $0x20  }
0x1f: {  	[sflag:s11] =	ssyncset.done $0x0  }
0x20: {  	[sflag:s11] =	ssyncadd.s32 $0xFFFFFFE0  }
0x21: {  	[tilespmem:s16], [sflag:$0x3] =	stream.linear.gather [hbm4b:s2+s3], $0x10, $0x38;
	[tilespmem:$0x8630] =	vst v63  }
0x22: {  	_ =	swait.ge [sflag:s11], $0x10  }
0x23: {  	[sflag:s11] =	ssyncset.done $0x0  }
0x24: {  	[sflag:s11] =	ssyncadd.s32 $0xFFFFFFF0  }
0x25: {  	v1 =	vmov s3;
	_ =	swait.ge [sflag:s17], $0x4000  }
0x26: {  	v1 =	vshll.u32 v1, $0x5;
	[sflag:s17] =	ssyncset.done $0x0  }
0x27: {  	v28 =	vor.u32 v0, v1;
	[sflag:s17] =	ssyncadd.s32 $0xFFFFC000  }
0x28: {  	_ =	swait.ge [sflag:s18], $0x4000  }
0x29: {  	v1 =	vor.u32 $0x1, v28;
	[sflag:s18] =	ssyncset.done $0x0  }
0x2a: {  	[sflag:s18] =	ssyncadd.s32 $0xFFFFC000  }
0x2b: {  	v2 =	vor.u32 $0x2, v28;
	v16 =	vld [tilespmem:$0x8400]  }
0x2c: {  	v3 =	vld.idx.msk [tilespmem:v28+s14+$0x0], $0xffff  }
0x2d: {  	v6 =	vor.u32 $0x3, v28;
	v4 =	vld.idx.msk [tilespmem:v28+s13+$0x0], $0xffff  }
0x2e: {  	v9 =	vor.u32 $0x4, v28;
	v7 =	vld.idx.msk [tilespmem:v1+s13+$0x0], $0xffff  }
0x2f: {  	v12 =	vor.u32 $0x5, v28;
	v8 =	vld.idx.msk [tilespmem:v1+s14+$0x0], $0xffff  }
0x30: {  	v10 =	vld.idx.msk [tilespmem:v2+s13+$0x0], $0xffff  }
0x31: {  	v11 =	vld.idx.msk [tilespmem:v2+s14+$0x0], $0xffff  }
0x32: {  	v13 =	vld.idx.msk [tilespmem:v6+s13+$0x0], $0xffff  }
0x33: {  	v14 =	vld.idx.msk [tilespmem:v9+s13+$0x0], $0xffff  }
0x34: {  	v15 =	vld.idx.msk [tilespmem:v12+s13+$0x0], $0xffff  }
0x35: {  	v2 =	vmul.f32 v3, v4;
	v4 =	vld.idx.msk [tilespmem:v6+s14+$0x0], $0xffff;
	v6 =	vor.u32 $0x6, v28  }
0x36: {  	v12 =	vld.idx.msk [tilespmem:v12+s14+$0x0], $0xffff;
	v5 =	vbroadcast v16, $0x0  }
0x37: {  	v1 =	vbroadcast v16, $0x1;
	v7 =	vmul.f32 v8, v7;
	v8 =	vld.idx.msk [tilespmem:v9+s14+$0x0], $0xffff;
	v9 =	vor.u32 $0x7, v28  }
0x38: {  	v10 =	vmul.f32 v11, v10;
	v11 =	vor.u32 $0x8, v28;
	v3 =	vmul.f32 v2, v5;
	_ =	sdelay $0x1  }
0x39: {  	v2 =	vbroadcast v16, $0x2;
	v7 =	vmul.f32 v7, v1;
	v17 =	vadd.f32 $0.0e+00, v3;
	v18 =	vld.idx.msk [tilespmem:v6+s13+$0x0], $0xffff  }
0x3a: {  	v12 =	vmul.f32 v12, v15;
	v15 =	vor.u32 $0xB, v28;
	v3 =	vbroadcast v16, $0x3;
	v19 =	vld.idx.msk [tilespmem:v6+s14+$0x0], $0xffff  }
0x3b: {  	v10 =	vmul.f32 v10, v2;
	v13 =	vmul.f32 v4, v13;
	v20 =	vld.idx.msk [tilespmem:v9+s13+$0x0], $0xffff;
	v7 =	vadd.f32 v7, v17  }
0x3c: {  	v8 =	vmul.f32 v8, v14;
	v14 =	vld.idx.msk [tilespmem:v11+s13+$0x0], $0xffff;
	v17 =	vor.u32 $0x9, v28  }
0x3d: {  	v4 =	vbroadcast v16, $0x4;
	v11 =	vld.idx.msk [tilespmem:v11+s14+$0x0], $0xffff;
	v7 =	vadd.f32 v10, v7;
	v10 =	vmul.f32 v13, v3  }
0x3e: {  	v6 =	vbroadcast v16, $0x5;
	v9 =	vld.idx.msk [tilespmem:v9+s14+$0x0], $0xffff;
	v13 =	vor.u32 $0xA, v28  }
0x3f: {  	v23 =	vld.idx.msk [tilespmem:v15+s13+$0x0], $0xffff;
	v8 =	vmul.f32 v8, v4;
	v10 =	vadd.f32 v10, v7  }
0x40: {  	v15 =	vld.idx.msk [tilespmem:v15+s14+$0x0], $0xffff;
	v12 =	vmul.f32 v12, v6;
	v7 =	vbroadcast v16, $0x6  }
0x41: {  	v18 =	vmul.f32 v19, v18;
	v19 =	vor.u32 $0xC, v28;
	v21 =	vld.idx.msk [tilespmem:v17+s13+$0x0], $0xffff;
	v10 =	vadd.f32 v8, v10  }
0x42: {  	v11 =	vmul.f32 v11, v14;
	v14 =	vor.u32 $0xE, v28;
	v17 =	vld.idx.msk [tilespmem:v17+s14+$0x0], $0xffff;
	v8 =	vbroadcast v16, $0x7  }
0x43: {  	v22 =	vld.idx.msk [tilespmem:v13+s13+$0x0], $0xffff;
	v10 =	vadd.f32 v12, v10;
	v12 =	vmul.f32 v18, v7;
	v18 =	vmul.f32 v9, v20  }
0x44: {  	v13 =	vld.idx.msk [tilespmem:v13+s14+$0x0], $0xffff;
	v9 =	vbroadcast v16, $0x8  }
0x45: {  	v32 =	vld [tilespmem:$0x8410];
	v20 =	vor.u32 $0xD, v28;
	v12 =	vadd.f32 v12, v10;
	v18 =	vmul.f32 v18, v8  }
0x46: {  	v15 =	vmul.f32 v15, v23;
	v23 =	vor.u32 $0x11, v28;
	v24 =	vld.idx.msk [tilespmem:v19+s13+$0x0], $0xffff;
	v10 =	vbroadcast v16, $0x9  }
0x47: {  	v19 =	vld.idx.msk [tilespmem:v19+s14+$0x0], $0xffff;
	v17 =	vmul.f32 v17, v21;
	v12 =	vadd.f32 v18, v12;
	v18 =	vmul.f32 v11, v9  }
0x48: {  	v26 =	vld.idx.msk [tilespmem:v14+s13+$0x0], $0xffff;
	v21 =	vor.u32 $0xF, v28;
	v11 =	vbroadcast v16, $0xA  }
0x49: {  	v27 =	vld.idx.msk [tilespmem:v14+s14+$0x0], $0xffff;
	v17 =	vmul.f32 v17, v10;
	v13 =	vmul.f32 v13, v22;
	v18 =	vadd.f32 v18, v12  }
0x4a: {  	v22 =	vor.u32 $0x10, v28;
	v25 =	vld.idx.msk [tilespmem:v20+s13+$0x0], $0xffff  }
0x4b: {  	v20 =	vld.idx.msk [tilespmem:v20+s14+$0x0], $0xffff;
	v12 =	vbroadcast v16, $0xB;
	v17 =	vadd.f32 v17, v18;
	v18 =	vmul.f32 v13, v11  }
0x4c: {  	v30 =	vld.idx.msk [tilespmem:v23+s13+$0x0], $0xffff;
	v13 =	vbroadcast v16, $0xC  }
0x4d: {  	v29 =	vld.idx.msk [tilespmem:v21+s13+$0x0], $0xffff;
	v15 =	vmul.f32 v15, v12;
	v17 =	vadd.f32 v18, v17;
	v18 =	vmul.f32 v19, v24  }
0x4e: {  	v21 =	vld.idx.msk [tilespmem:v21+s14+$0x0], $0xffff;
	v19 =	vor.u32 $0x12, v28  }
0x4f: {  	v23 =	vld.idx.msk [tilespmem:v23+s14+$0x0], $0xffff;
	v17 =	vadd.f32 v15, v17;
	v18 =	vmul.f32 v18, v13  }
0x50: {  	v14 =	vbroadcast v16, $0xD;
	v24 =	vld.idx.msk [tilespmem:v22+s13+$0x0], $0xffff;
	v20 =	vmul.f32 v20, v25;
	v25 =	vor.u32 $0x13, v28  }
0x51: {  	v22 =	vld.idx.msk [tilespmem:v22+s14+$0x0], $0xffff;
	v15 =	vbroadcast v16, $0xE;
	v17 =	vadd.f32 v18, v17  }
0x52: {  	v18 =	vmul.f32 v20, v14;
	v20 =	vmul.f32 v27, v26;
	v26 =	vor.u32 $0x14, v28  }
0x53: {  	v16 =	vbroadcast v16, $0xF;
	v21 =	vmul.f32 v21, v29;
	v27 =	vld.idx.msk [tilespmem:v19+s13+$0x0], $0xffff  }
0x54: {  	v29 =	vor.u32 $0x15, v28;
	v31 =	vld.idx.msk [tilespmem:v19+s14+$0x0], $0xffff;
	v18 =	vadd.f32 v18, v17;
	v20 =	vmul.f32 v20, v15  }
0x55: {  	v23 =	vmul.f32 v23, v30;
	v30 =	vor.u32 $0x17, v28;
	v33 =	vld.idx.msk [tilespmem:v25+s13+$0x0], $0xffff;
	v17 =	vbroadcast v32, $0x0  }
0x56: {  	v19 =	vadd.f32 v20, v18;
	v20 =	vmul.f32 v21, v16;
	v21 =	vmul.f32 v22, v24;
	v24 =	vld.idx.msk [tilespmem:v25+s14+$0x0], $0xffff  }
0x57: {  	v18 =	vbroadcast v32, $0x1;
	v22 =	vor.u32 $0x16, v28;
	v25 =	vld.idx.msk [tilespmem:v26+s13+$0x0], $0xffff  }
0x58: {  	v26 =	vld.idx.msk [tilespmem:v26+s14+$0x0], $0xffff;
	v20 =	vadd.f32 v20, v19;
	v21 =	vmul.f32 v21, v17  }
0x59: {  	v34 =	vld.idx.msk [tilespmem:v29+s13+$0x0], $0xffff;
	v19 =	vbroadcast v32, $0x2;
	v23 =	vmul.f32 v23, v18  }
0x5a: {  	v29 =	vld.idx.msk [tilespmem:v29+s14+$0x0], $0xffff;
	v27 =	vmul.f32 v31, v27;
	v31 =	vor.u32 $0x18, v28;
	v21 =	vadd.f32 v21, v20  }
0x5b: {  	v59 =	vor.u32 $0x19, v28;
	v37 =	vld.idx.msk [tilespmem:v30+s13+$0x0], $0xffff;
	v20 =	vbroadcast v32, $0x3  }
0x5c: {  	v27 =	vmul.f32 v27, v19;
	v35 =	vld.idx.msk [tilespmem:v22+s13+$0x0], $0xffff;
	v24 =	vmul.f32 v24, v33;
	v23 =	vadd.f32 v23, v21  }
0x5d: {  	v36 =	vld.idx.msk [tilespmem:v22+s14+$0x0], $0xffff;
	v21 =	vbroadcast v32, $0x4;
	v25 =	vmul.f32 v26, v25  }
0x5e: {  	v26 =	vor.u32 $0x1A, v28;
	v24 =	vmul.f32 v24, v20;
	v23 =	vadd.f32 v27, v23;
	v27 =	vld.idx.msk [tilespmem:v30+s14+$0x0], $0xffff  }
0x5f: {  	v29 =	vmul.f32 v29, v34;
	v22 =	vbroadcast v32, $0x5;
	v30 =	vld.idx.msk [tilespmem:v31+s13+$0x0], $0xffff  }
0x60: {  	v60 =	vor.u32 $0x1B, v28;
	v25 =	vmul.f32 v25, v21;
	v31 =	vld.idx.msk [tilespmem:v31+s14+$0x0], $0xffff;
	v24 =	vadd.f32 v24, v23  }
0x61: {  	v61 =	vor.u32 $0x1C, v28;
	v38 =	vld.idx.msk [tilespmem:v59+s13+$0x0], $0xffff;
	v29 =	vmul.f32 v29, v22  }
0x62: {  	v33 =	vld.idx.msk [tilespmem:v59+s14+$0x0], $0xffff;
	v23 =	vbroadcast v32, $0x6;
	v35 =	vmul.f32 v36, v35;
	v25 =	vadd.f32 v25, v24  }
0x63: {  	v62 =	vor.u32 $0x1D, v28;
	v39 =	vld.idx.msk [tilespmem:v26+s13+$0x0], $0xffff;
	v24 =	vbroadcast v32, $0x7  }
0x64: {  	v40 =	vld.idx.msk [tilespmem:v26+s14+$0x0], $0xffff;
	v35 =	vmul.f32 v35, v23;
	v27 =	vmul.f32 v27, v37;
	v29 =	vadd.f32 v29, v25  }
0x65: {  	v41 =	vld.idx.msk [tilespmem:v60+s13+$0x0], $0xffff;
	v30 =	vmul.f32 v31, v30;
	v31 =	vor.u32 $0x1E, v28  }
0x66: {  	v34 =	vld.idx.msk [tilespmem:v60+s14+$0x0], $0xffff;
	v25 =	vbroadcast v32, $0x8;
	v27 =	vmul.f32 v27, v24;
	v29 =	vadd.f32 v35, v29  }
0x67: {  	v45 =	vor.u32 $0x1F, v28;
	v63 =	vld.idx.msk [tilespmem:v61+s13+$0x0], $0xffff;
	v33 =	vmul.f32 v33, v38  }
0x68: {  	v42 =	vld.idx.msk [tilespmem:v62+s13+$0x0], $0xffff;
	v26 =	vbroadcast v32, $0x9;
	v30 =	vmul.f32 v30, v25;
	v29 =	vadd.f32 v27, v29  }
0x69: {  	v36 =	vld.idx.msk [tilespmem:v61+s14+$0x0], $0xffff;
	v46 =	vmul.f32 v40, v39  }
0x6a: {  	v37 =	vld.idx.msk [tilespmem:v62+s14+$0x0], $0xffff;
	v27 =	vbroadcast v32, $0xA;
	v29 =	vadd.f32 v30, v29;
	v30 =	vmul.f32 v33, v26  }
0x6b: {  	v34 =	vmul.f32 v34, v41;
	v28 =	vbroadcast v32, $0xB;
	v47 =	vld.idx.msk [tilespmem:v31+s13+$0x0], $0xffff  }
0x6c: {  	v48 =	vld.idx.msk [tilespmem:v31+s14+$0x0], $0xffff;
	v33 =	vmul.f32 v46, v27;
	v30 =	vadd.f32 v30, v29  }
0x6d: {  	v49 =	vld.idx.msk [tilespmem:v45+s13+$0x0], $0xffff;
	v50 =	vmul.f32 v34, v28  }
0x6e: {  	v52 =	vld.idx.msk [tilespmem:v45+s14+$0x0], $0xffff;
	v51 =	vmul.f32 v36, v63;
	v29 =	vbroadcast v32, $0xC;
	v31 =	vadd.f32 v33, v30  }
0x6f: {  	v53 =	vmul.f32 v37, v42  }
0x70: {  	v30 =	vbroadcast v32, $0xD;
	v34 =	vmul.f32 v51, v29;
	v33 =	vadd.f32 v50, v31  }
0x71: {  	v55 =	vmul.f32 v48, v47  }
0x72: {  	v31 =	vbroadcast v32, $0xE;
	v54 =	vmul.f32 v53, v30;
	v33 =	vadd.f32 v34, v33  }
0x73: {  	v35 =	vmul.f32 v52, v49  }
0x74: {  	v32 =	vbroadcast v32, $0xF;
	v36 =	vmul.f32 v55, v31;
	v34 =	vadd.f32 v54, v33  }
0x75: {  	v33 =	vld.msk [tilespmem:$0x8420 ss:$0x0], $0xffff  }
0x76: {  	v35 =	vmul.f32 v35, v32;
	v34 =	vadd.f32 v36, v34;
	_ =	sdelay $0x1  }
0x77: {  	v34 =	vadd.f32 v35, v34;
	_ =	sdelay $0x1  }
0x78: {  	v34 =	vadd.f32 v34, v33;
	_ =	sdelay $0x1  }
0x79: {  	v34 =	vsub.f32 $0.0e+00, v34;
	_ =	sdelay $0x1  }
0x7a: {  	v34 =	vmul.f32 $1.442695020e+00, v34;
	_ =	sdelay $0x1  }
0x7b: {  	(erf) = vpow2.f32 v34;
	_ =	sdelay $0x8  }
0x7c: {  	v34 =	vpop (erf)  }
0x7d: {  	v34 =	vadd.f32 $1.000000000e+00, v34;
	_ =	sdelay $0x1  }
0x7e: {  	(erf) = vrcp.f32 v34;
	_ =	sdelay $0x2  }
0x7f: {  	s21 =	simm.s32 $0x10  }
0x80: {  	v56 =	vmov s21  }
0x81: {  	v34 =	vshll.u32 v56, $0x5  }
0x82: {  	v34 =	vor.u32 v0, v34;
	_ =	sdelay $0x1  }
0x83: {  	v57 =	vor.u32 $0x1, v34  }
0x84: {  	v58 =	vpop (erf)  }
0x85: {  	v59 =	vor.u32 $0x2, v34;
	[tilespmem:s19+$0x0] =	vst v58  }
0x86: {  	v36 =	vld.idx.msk [tilespmem:v34+s14+$0x0], $0xffff  }
0x87: {  	v61 =	vor.u32 $0x3, v34;
	v60 =	vld.idx.msk [tilespmem:v34+s13+$0x0], $0xffff  }
0x88: {  	v62 =	vld.idx.msk [tilespmem:v57+s13+$0x0], $0xffff  }
0x89: {  	v63 =	vor.u32 $0x4, v34;
	v35 =	vld.idx.msk [tilespmem:v57+s14+$0x0], $0xffff  }
0x8a: {  	v48 =	vld.idx.msk [tilespmem:v59+s13+$0x0], $0xffff  }
0x8b: {  	v43 =	vor.u32 $0x5, v34;
	v37 =	vld.idx.msk [tilespmem:v59+s14+$0x0], $0xffff  }
0x8c: {  	v44 =	vld.idx.msk [tilespmem:v61+s13+$0x0], $0xffff;
	v36 =	vmul.f32 v36, v60  }
0x8d: {  	v50 =	vor.u32 $0x6, v34;
	v49 =	vld.idx.msk [tilespmem:v61+s14+$0x0], $0xffff  }
0x8e: {  	v45 =	vld.idx.msk [tilespmem:v63+s13+$0x0], $0xffff;
	v35 =	vmul.f32 v35, v62;
	v36 =	vmul.f32 v36, v5  }
0x8f: {  	v52 =	vor.u32 $0x7, v34;
	v51 =	vld.idx.msk [tilespmem:v63+s14+$0x0], $0xffff  }
0x90: {  	v46 =	vld.idx.msk [tilespmem:v43+s13+$0x0], $0xffff;
	v37 =	vmul.f32 v37, v48;
	v35 =	vmul.f32 v35, v1;
	v36 =	vadd.f32 $0.0e+00, v36  }
0x91: {  	v53 =	vor.u32 $0x8, v34;
	v43 =	vld.idx.msk [tilespmem:v43+s14+$0x0], $0xffff  }
0x92: {  	v47 =	vld.idx.msk [tilespmem:v50+s13+$0x0], $0xffff;
	v55 =	vmul.f32 v49, v44;
	v54 =	vmul.f32 v37, v2;
	v35 =	vadd.f32 v35, v36  }
0x93: {  	v56 =	vor.u32 $0x9, v34;
	v39 =	vld.idx.msk [tilespmem:v50+s14+$0x0], $0xffff  }
0x94: {  	v57 =	vld.idx.msk [tilespmem:v52+s13+$0x0], $0xffff;
	v59 =	vmul.f32 v51, v45;
	v58 =	vmul.f32 v55, v3;
	v35 =	vadd.f32 v54, v35  }
0x95: {  	v41 =	vld.idx.msk [tilespmem:v52+s14+$0x0], $0xffff;
	v60 =	vor.u32 $0xA, v34  }
0x96: {  	v61 =	vld.idx.msk [tilespmem:v53+s13+$0x0], $0xffff;
	v63 =	vmul.f32 v43, v46;
	v62 =	vmul.f32 v59, v4;
	v35 =	vadd.f32 v58, v35  }
0x97: {  	v42 =	vld.idx.msk [tilespmem:v53+s14+$0x0], $0xffff;
	v48 =	vor.u32 $0xB, v34  }
0x98: {  	v38 =	vld.idx.msk [tilespmem:v56+s14+$0x0], $0xffff;
	v51 =	vmul.f32 v39, v47;
	v50 =	vmul.f32 v63, v6;
	v35 =	vadd.f32 v62, v35  }
0x99: {  	v52 =	vor.u32 $0xC, v34;
	v49 =	vld.idx.msk [tilespmem:v56+s13+$0x0], $0xffff  }
0x9a: {  	v55 =	vmul.f32 v41, v57;
	v53 =	vld.idx.msk [tilespmem:v60+s13+$0x0], $0xffff;
	v54 =	vmul.f32 v51, v7;
	v35 =	vadd.f32 v50, v35  }
0x9b: {  	v56 =	vor.u32 $0xD, v34;
	v40 =	vld.idx.msk [tilespmem:v60+s14+$0x0], $0xffff  }
0x9c: {  	v59 =	vmul.f32 v42, v61;
	v57 =	vld.idx.msk [tilespmem:v48+s13+$0x0], $0xffff;
	v58 =	vmul.f32 v55, v8;
	v35 =	vadd.f32 v54, v35  }
0x9d: {  	v60 =	vor.u32 $0xE, v34;
	v43 =	vld.idx.msk [tilespmem:v48+s14+$0x0], $0xffff  }
0x9e: {  	v39 =	vld.idx.msk [tilespmem:v52+s14+$0x0], $0xffff;
	v63 =	vmul.f32 v38, v49;
	v62 =	vmul.f32 v59, v9;
	v35 =	vadd.f32 v58, v35  }
0x9f: {  	v61 =	vld.idx.msk [tilespmem:v52+s13+$0x0], $0xffff;
	v48 =	vor.u32 $0xF, v34  }
0xa0: {  	v49 =	vld.idx.msk [tilespmem:v56+s13+$0x0], $0xffff;
	v51 =	vmul.f32 v40, v53;
	v50 =	vmul.f32 v63, v10;
	v35 =	vadd.f32 v62, v35  }
0xa1: {  	v52 =	vor.u32 $0x10, v34;
	v41 =	vld.idx.msk [tilespmem:v56+s14+$0x0], $0xffff  }
0xa2: {  	v53 =	vld.idx.msk [tilespmem:v60+s13+$0x0], $0xffff;
	v55 =	vmul.f32 v43, v57;
	v54 =	vmul.f32 v51, v11;
	v35 =	vadd.f32 v50, v35  }
0xa3: {  	v56 =	vor.u32 $0x11, v34;
	v42 =	vld.idx.msk [tilespmem:v60+s14+$0x0], $0xffff  }
0xa4: {  	v57 =	vld.idx.msk [tilespmem:v48+s13+$0x0], $0xffff;
	v59 =	vmul.f32 v39, v61;
	v58 =	vmul.f32 v55, v12;
	v35 =	vadd.f32 v54, v35  }
0xa5: {  	v60 =	vor.u32 $0x12, v34;
	v38 =	vld.idx.msk [tilespmem:v48+s14+$0x0], $0xffff  }
0xa6: {  	v40 =	vld.idx.msk [tilespmem:v52+s14+$0x0], $0xffff;
	v63 =	vmul.f32 v41, v49;
	v62 =	vmul.f32 v59, v13;
	v35 =	vadd.f32 v58, v35  }
0xa7: {  	v48 =	vor.u32 $0x13, v34;
	v61 =	vld.idx.msk [tilespmem:v52+s13+$0x0], $0xffff  }
0xa8: {  	v43 =	vld.idx.msk [tilespmem:v56+s14+$0x0], $0xffff;
	v51 =	vmul.f32 v42, v53;
	v50 =	vmul.f32 v63, v14;
	v35 =	vadd.f32 v62, v35  }
0xa9: {  	v52 =	vor.u32 $0x14, v34;
	v49 =	vld.idx.msk [tilespmem:v56+s13+$0x0], $0xffff  }
0xaa: {  	v39 =	vld.idx.msk [tilespmem:v60+s14+$0x0], $0xffff;
	v55 =	vmul.f32 v38, v57;
	v54 =	vmul.f32 v51, v15;
	v35 =	vadd.f32 v50, v35  }
0xab: {  	v56 =	vor.u32 $0x15, v34;
	v53 =	vld.idx.msk [tilespmem:v60+s13+$0x0], $0xffff  }
0xac: {  	v41 =	vld.idx.msk [tilespmem:v48+s14+$0x0], $0xffff;
	v59 =	vmul.f32 v40, v61;
	v58 =	vmul.f32 v55, v16;
	v35 =	vadd.f32 v54, v35  }
0xad: {  	v60 =	vor.u32 $0x16, v34;
	v57 =	vld.idx.msk [tilespmem:v48+s13+$0x0], $0xffff  }
0xae: {  	v42 =	vld.idx.msk [tilespmem:v52+s14+$0x0], $0xffff;
	v63 =	vmul.f32 v43, v49;
	v62 =	vmul.f32 v59, v17;
	v35 =	vadd.f32 v58, v35  }
0xaf: {  	v48 =	vor.u32 $0x17, v34;
	v61 =	vld.idx.msk [tilespmem:v52+s13+$0x0], $0xffff  }
0xb0: {  	v38 =	vld.idx.msk [tilespmem:v56+s14+$0x0], $0xffff;
	v51 =	vmul.f32 v39, v53;
	v50 =	vmul.f32 v63, v18;
	v35 =	vadd.f32 v62, v35  }
0xb1: {  	v52 =	vor.u32 $0x18, v34;
	v49 =	vld.idx.msk [tilespmem:v56+s13+$0x0], $0xffff  }
0xb2: {  	v40 =	vld.idx.msk [tilespmem:v60+s14+$0x0], $0xffff;
	v55 =	vmul.f32 v41, v57;
	v54 =	vmul.f32 v51, v19;
	v35 =	vadd.f32 v50, v35  }
0xb3: {  	v56 =	vor.u32 $0x19, v34;
	v53 =	vld.idx.msk [tilespmem:v60+s13+$0x0], $0xffff  }
0xb4: {  	v43 =	vld.idx.msk [tilespmem:v48+s14+$0x0], $0xffff;
	v59 =	vmul.f32 v42, v61;
	v58 =	vmul.f32 v55, v20;
	v35 =	vadd.f32 v54, v35  }
0xb5: {  	v60 =	vor.u32 $0x1A, v34;
	v57 =	vld.idx.msk [tilespmem:v48+s13+$0x0], $0xffff  }
0xb6: {  	v39 =	vld.idx.msk [tilespmem:v52+s14+$0x0], $0xffff;
	v63 =	vmul.f32 v38, v49;
	v62 =	vmul.f32 v59, v21;
	v35 =	vadd.f32 v58, v35  }
0xb7: {  	v48 =	vor.u32 $0x1B, v34;
	v61 =	vld.idx.msk [tilespmem:v52+s13+$0x0], $0xffff  }
0xb8: {  	v41 =	vld.idx.msk [tilespmem:v56+s14+$0x0], $0xffff;
	v51 =	vmul.f32 v40, v53;
	v50 =	vmul.f32 v63, v22;
	v35 =	vadd.f32 v62, v35  }
0xb9: {  	v52 =	vor.u32 $0x1C, v34;
	v49 =	vld.idx.msk [tilespmem:v56+s13+$0x0], $0xffff  }
0xba: {  	v42 =	vld.idx.msk [tilespmem:v60+s14+$0x0], $0xffff;
	v55 =	vmul.f32 v43, v57;
	v54 =	vmul.f32 v51, v23;
	v35 =	vadd.f32 v50, v35  }
0xbb: {  	v56 =	vor.u32 $0x1D, v34;
	v53 =	vld.idx.msk [tilespmem:v60+s13+$0x0], $0xffff  }
0xbc: {  	v38 =	vld.idx.msk [tilespmem:v48+s14+$0x0], $0xffff;
	v59 =	vmul.f32 v39, v61;
	v58 =	vmul.f32 v55, v24;
	v35 =	vadd.f32 v54, v35  }
0xbd: {  	v60 =	vor.u32 $0x1E, v34;
	v57 =	vld.idx.msk [tilespmem:v48+s13+$0x0], $0xffff  }
0xbe: {  	v40 =	vld.idx.msk [tilespmem:v52+s14+$0x0], $0xffff;
	v63 =	vmul.f32 v41, v49;
	v62 =	vmul.f32 v59, v25;
	v35 =	vadd.f32 v58, v35  }
0xbf: {  	v34 =	vor.u32 $0x1F, v34;
	v61 =	vld.idx.msk [tilespmem:v52+s13+$0x0], $0xffff  }
0xc0: {  	v46 =	vld.idx.msk [tilespmem:v56+s13+$0x0], $0xffff;
	v49 =	vmul.f32 v42, v53;
	v48 =	vmul.f32 v63, v26;
	v35 =	vadd.f32 v62, v35  }
0xc1: {  	v50 =	vld.idx.msk [tilespmem:v56+s14+$0x0], $0xffff  }
0xc2: {  	v53 =	vmul.f32 v38, v57;
	v51 =	vld.idx.msk [tilespmem:v60+s13+$0x0], $0xffff;
	v52 =	vmul.f32 v49, v27;
	v35 =	vadd.f32 v48, v35  }
0xc3: {  	v54 =	vld.idx.msk [tilespmem:v60+s14+$0x0], $0xffff  }
0xc4: {  	v57 =	vmul.f32 v40, v61;
	v55 =	vld.idx.msk [tilespmem:v34+s13+$0x0], $0xffff;
	v56 =	vmul.f32 v53, v28;
	v35 =	vadd.f32 v52, v35  }
0xc5: {  	v34 =	vld.idx.msk [tilespmem:v34+s14+$0x0], $0xffff  }
0xc6: {  	v58 =	vmul.f32 v57, v29;
	v59 =	vmul.f32 v50, v46;
	v35 =	vadd.f32 v56, v35;
	_ =	sdelay $0x1  }
0xc7: {  	v60 =	vmul.f32 v59, v30;
	v61 =	vmul.f32 v54, v51;
	v35 =	vadd.f32 v58, v35;
	_ =	sdelay $0x1  }
0xc8: {  	v34 =	vmul.f32 v34, v55;
	v62 =	vmul.f32 v61, v31;
	v35 =	vadd.f32 v60, v35;
	_ =	sdelay $0x1  }
0xc9: {  	v34 =	vmul.f32 v34, v32;
	v35 =	vadd.f32 v62, v35;
	_ =	sdelay $0x1  }
0xca: {  	v34 =	vadd.f32 v34, v35;
	_ =	sdelay $0x1  }
0xcb: {  	v34 =	vadd.f32 v34, v33;
	_ =	sdelay $0x1  }
0xcc: {  	v34 =	vsub.f32 $0.0e+00, v34;
	_ =	sdelay $0x1  }
0xcd: {  	v34 =	vmul.f32 $1.442695020e+00, v34;
	_ =	sdelay $0x1  }
0xce: {  	(erf) = vpow2.f32 v34;
	_ =	sdelay $0x8  }
0xcf: {  	v34 =	vpop (erf)  }
0xd0: {  	v34 =	vadd.f32 $1.000000000e+00, v34;
	_ =	sdelay $0x1  }
0xd1: {  	(erf) = vrcp.f32 v34;
	_ =	sdelay $0x2  }
0xd2: {  	s31 =	simm.s32 $0x20  }
0xd3: {  	v63 =	vmov s31  }
0xd4: {  	s22 =	simm.s32 $0x30;
	s21 =	simm.s32 $0x8430;
	v34 =	vshll.u32 v63, $0x5  }
.LBB2_2:
0xd5: {  	p0 =	sne.s32 s22, $0x1F0;
	v34 =	vor.u32 v0, v34;
	_ =	sdelay $0x1  }
0xd6: {  	v35 =	vor.u32 $0x1, v34  }
0xd7: {  	s21 =	sadd.s32 $0x10, s21;
	v36 =	vpop (erf)  }
0xd8: {  	v37 =	vor.u32 $0x2, v34;
	[tilespmem:s21+$0x0] =	vst v36  }
0xd9: {  	v36 =	vld.idx.msk [tilespmem:v34+s14+$0x0], $0xffff  }
0xda: {  	v39 =	vor.u32 $0x3, v34;
	v38 =	vld.idx.msk [tilespmem:v34+s13+$0x0], $0xffff  }
0xdb: {  	v40 =	vld.idx.msk [tilespmem:v35+s13+$0x0], $0xffff  }
0xdc: {  	v41 =	vor.u32 $0x4, v34;
	v35 =	vld.idx.msk [tilespmem:v35+s14+$0x0], $0xffff  }
0xdd: {  	v42 =	vld.idx.msk [tilespmem:v37+s13+$0x0], $0xffff  }
0xde: {  	v43 =	vor.u32 $0x5, v34;
	v37 =	vld.idx.msk [tilespmem:v37+s14+$0x0], $0xffff  }
0xdf: {  	v44 =	vld.idx.msk [tilespmem:v39+s13+$0x0], $0xffff  }
0xe0: {  	v36 =	vmul.f32 v36, v38;
	v38 =	vld.idx.msk [tilespmem:v39+s14+$0x0], $0xffff;
	v39 =	vor.u32 $0x6, v34  }
0xe1: {  	v45 =	vld.idx.msk [tilespmem:v41+s13+$0x0], $0xffff  }
0xe2: {  	v36 =	vmul.f32 v36, v5;
	v35 =	vmul.f32 v35, v40;
	v40 =	vld.idx.msk [tilespmem:v41+s14+$0x0], $0xffff;
	v41 =	vor.u32 $0x7, v34  }
0xe3: {  	v47 =	vor.u32 $0x8, v34;
	v46 =	vld.idx.msk [tilespmem:v43+s13+$0x0], $0xffff  }
0xe4: {  	v36 =	vadd.f32 $0.0e+00, v36;
	v35 =	vmul.f32 v35, v1;
	v37 =	vmul.f32 v37, v42;
	v42 =	vld.idx.msk [tilespmem:v43+s14+$0x0], $0xffff  }
0xe5: {  	v48 =	vor.u32 $0x9, v34;
	v43 =	vld.idx.msk [tilespmem:v39+s13+$0x0], $0xffff  }
0xe6: {  	v35 =	vadd.f32 v35, v36;
	v36 =	vmul.f32 v37, v2;
	v37 =	vmul.f32 v38, v44;
	v38 =	vld.idx.msk [tilespmem:v39+s14+$0x0], $0xffff  }
0xe7: {  	v44 =	vor.u32 $0xA, v34;
	v39 =	vld.idx.msk [tilespmem:v41+s13+$0x0], $0xffff  }
0xe8: {  	v35 =	vadd.f32 v36, v35;
	v36 =	vmul.f32 v37, v3;
	v37 =	vmul.f32 v40, v45;
	v40 =	vld.idx.msk [tilespmem:v41+s14+$0x0], $0xffff  }
0xe9: {  	v45 =	vor.u32 $0xB, v34;
	v41 =	vld.idx.msk [tilespmem:v47+s13+$0x0], $0xffff  }
0xea: {  	v35 =	vadd.f32 v36, v35;
	v36 =	vmul.f32 v37, v4;
	v37 =	vmul.f32 v42, v46;
	v42 =	vld.idx.msk [tilespmem:v47+s14+$0x0], $0xffff  }
0xeb: {  	v47 =	vor.u32 $0xC, v34;
	v46 =	vld.idx.msk [tilespmem:v48+s13+$0x0], $0xffff  }
0xec: {  	v35 =	vadd.f32 v36, v35;
	v36 =	vmul.f32 v37, v6;
	v37 =	vmul.f32 v38, v43;
	v38 =	vld.idx.msk [tilespmem:v48+s14+$0x0], $0xffff  }
0xed: {  	v48 =	vor.u32 $0xD, v34;
	v43 =	vld.idx.msk [tilespmem:v44+s13+$0x0], $0xffff  }
0xee: {  	v35 =	vadd.f32 v36, v35;
	v36 =	vmul.f32 v37, v7;
	v37 =	vmul.f32 v40, v39;
	v39 =	vld.idx.msk [tilespmem:v44+s14+$0x0], $0xffff  }
0xef: {  	v44 =	vor.u32 $0xE, v34;
	v40 =	vld.idx.msk [tilespmem:v45+s13+$0x0], $0xffff  }
0xf0: {  	v35 =	vadd.f32 v36, v35;
	v36 =	vmul.f32 v37, v8;
	v37 =	vmul.f32 v42, v41;
	v41 =	vld.idx.msk [tilespmem:v45+s14+$0x0], $0xffff  }
0xf1: {  	v45 =	vor.u32 $0xF, v34;
	v42 =	vld.idx.msk [tilespmem:v47+s13+$0x0], $0xffff  }
0xf2: {  	v35 =	vadd.f32 v36, v35;
	v36 =	vmul.f32 v37, v9;
	v37 =	vmul.f32 v38, v46;
	v38 =	vld.idx.msk [tilespmem:v47+s14+$0x0], $0xffff  }
0xf3: {  	v47 =	vor.u32 $0x10, v34;
	v46 =	vld.idx.msk [tilespmem:v48+s13+$0x0], $0xffff  }
0xf4: {  	v35 =	vadd.f32 v36, v35;
	v36 =	vmul.f32 v37, v10;
	v37 =	vmul.f32 v39, v43;
	v39 =	vld.idx.msk [tilespmem:v48+s14+$0x0], $0xffff  }
0xf5: {  	v48 =	vor.u32 $0x11, v34;
	v43 =	vld.idx.msk [tilespmem:v44+s13+$0x0], $0xffff  }
0xf6: {  	v35 =	vadd.f32 v36, v35;
	v36 =	vmul.f32 v37, v11;
	v37 =	vmul.f32 v41, v40;
	v40 =	vld.idx.msk [tilespmem:v44+s14+$0x0], $0xffff  }
0xf7: {  	v44 =	vor.u32 $0x12, v34;
	v41 =	vld.idx.msk [tilespmem:v45+s13+$0x0], $0xffff  }
0xf8: {  	v35 =	vadd.f32 v36, v35;
	v36 =	vmul.f32 v37, v12;
	v37 =	vmul.f32 v38, v42;
	v38 =	vld.idx.msk [tilespmem:v45+s14+$0x0], $0xffff  }
0xf9: {  	v45 =	vor.u32 $0x13, v34;
	v42 =	vld.idx.msk [tilespmem:v47+s13+$0x0], $0xffff  }
0xfa: {  	v35 =	vadd.f32 v36, v35;
	v36 =	vmul.f32 v37, v13;
	v37 =	vmul.f32 v39, v46;
	v39 =	vld.idx.msk [tilespmem:v47+s14+$0x0], $0xffff  }
0xfb: {  	v47 =	vor.u32 $0x14, v34;
	v46 =	vld.idx.msk [tilespmem:v48+s13+$0x0], $0xffff  }
0xfc: {  	v35 =	vadd.f32 v36, v35;
	v36 =	vmul.f32 v37, v14;
	v37 =	vmul.f32 v40, v43;
	v40 =	vld.idx.msk [tilespmem:v48+s14+$0x0], $0xffff  }
0xfd: {  	v48 =	vor.u32 $0x15, v34;
	v43 =	vld.idx.msk [tilespmem:v44+s13+$0x0], $0xffff  }
0xfe: {  	v35 =	vadd.f32 v36, v35;
	v36 =	vmul.f32 v37, v15;
	v37 =	vmul.f32 v38, v41;
	v38 =	vld.idx.msk [tilespmem:v44+s14+$0x0], $0xffff  }
0xff: {  	v44 =	vor.u32 $0x16, v34;
	v41 =	vld.idx.msk [tilespmem:v45+s13+$0x0], $0xffff  }
0x100: {  	v35 =	vadd.f32 v36, v35;
	v36 =	vmul.f32 v37, v16;
	v37 =	vmul.f32 v39, v42;
	v39 =	vld.idx.msk [tilespmem:v45+s14+$0x0], $0xffff  }
0x101: {  	v45 =	vor.u32 $0x17, v34;
	v42 =	vld.idx.msk [tilespmem:v47+s13+$0x0], $0xffff  }
0x102: {  	v35 =	vadd.f32 v36, v35;
	v36 =	vmul.f32 v37, v17;
	v37 =	vmul.f32 v40, v46;
	v40 =	vld.idx.msk [tilespmem:v47+s14+$0x0], $0xffff  }
0x103: {  	v47 =	vor.u32 $0x18, v34;
	v46 =	vld.idx.msk [tilespmem:v48+s13+$0x0], $0xffff  }
0x104: {  	v35 =	vadd.f32 v36, v35;
	v36 =	vmul.f32 v37, v18;
	v37 =	vmul.f32 v38, v43;
	v38 =	vld.idx.msk [tilespmem:v48+s14+$0x0], $0xffff  }
0x105: {  	v48 =	vor.u32 $0x19, v34;
	v43 =	vld.idx.msk [tilespmem:v44+s13+$0x0], $0xffff  }
0x106: {  	v35 =	vadd.f32 v36, v35;
	v36 =	vmul.f32 v37, v19;
	v37 =	vmul.f32 v39, v41;
	v39 =	vld.idx.msk [tilespmem:v44+s14+$0x0], $0xffff  }
0x107: {  	v44 =	vor.u32 $0x1A, v34;
	v41 =	vld.idx.msk [tilespmem:v45+s13+$0x0], $0xffff  }
0x108: {  	v35 =	vadd.f32 v36, v35;
	v36 =	vmul.f32 v37, v20;
	v37 =	vmul.f32 v40, v42;
	v40 =	vld.idx.msk [tilespmem:v45+s14+$0x0], $0xffff  }
0x109: {  	v45 =	vor.u32 $0x1B, v34;
	v42 =	vld.idx.msk [tilespmem:v47+s13+$0x0], $0xffff  }
0x10a: {  	v35 =	vadd.f32 v36, v35;
	v36 =	vmul.f32 v37, v21;
	v37 =	vmul.f32 v38, v46;
	v38 =	vld.idx.msk [tilespmem:v47+s14+$0x0], $0xffff  }
0x10b: {  	v47 =	vor.u32 $0x1C, v34;
	v46 =	vld.idx.msk [tilespmem:v48+s13+$0x0], $0xffff  }
0x10c: {  	v35 =	vadd.f32 v36, v35;
	v36 =	vmul.f32 v37, v22;
	v37 =	vmul.f32 v39, v43;
	v39 =	vld.idx.msk [tilespmem:v48+s14+$0x0], $0xffff  }
0x10d: {  	v48 =	vor.u32 $0x1D, v34;
	v43 =	vld.idx.msk [tilespmem:v44+s13+$0x0], $0xffff  }
0x10e: {  	v35 =	vadd.f32 v36, v35;
	v36 =	vmul.f32 v37, v23;
	v37 =	vmul.f32 v40, v41;
	v40 =	vld.idx.msk [tilespmem:v44+s14+$0x0], $0xffff  }
0x10f: {  	v44 =	vor.u32 $0x1E, v34;
	v41 =	vld.idx.msk [tilespmem:v45+s13+$0x0], $0xffff  }
0x110: {  	v35 =	vadd.f32 v36, v35;
	v36 =	vmul.f32 v37, v24;
	v37 =	vmul.f32 v38, v42;
	v38 =	vld.idx.msk [tilespmem:v45+s14+$0x0], $0xffff  }
0x111: {  	v34 =	vor.u32 $0x1F, v34;
	v42 =	vld.idx.msk [tilespmem:v47+s13+$0x0], $0xffff  }
0x112: {  	v35 =	vadd.f32 v36, v35;
	v36 =	vmul.f32 v37, v25;
	v37 =	vmul.f32 v39, v46;
	v39 =	vld.idx.msk [tilespmem:v47+s14+$0x0], $0xffff  }
0x113: {  	v45 =	vld.idx.msk [tilespmem:v48+s13+$0x0], $0xffff  }
0x114: {  	v35 =	vadd.f32 v36, v35;
	v36 =	vmul.f32 v37, v26;
	v37 =	vmul.f32 v40, v43;
	v40 =	vld.idx.msk [tilespmem:v48+s14+$0x0], $0xffff  }
0x115: {  	v43 =	vld.idx.msk [tilespmem:v44+s13+$0x0], $0xffff  }
0x116: {  	v35 =	vadd.f32 v36, v35;
	v36 =	vmul.f32 v37, v27;
	v37 =	vmul.f32 v38, v41;
	v38 =	vld.idx.msk [tilespmem:v44+s14+$0x0], $0xffff  }
0x117: {  	v41 =	vld.idx.msk [tilespmem:v34+s13+$0x0], $0xffff  }
0x118: {  	v35 =	vadd.f32 v36, v35;
	v36 =	vmul.f32 v37, v28;
	v37 =	vmul.f32 v39, v42;
	v34 =	vld.idx.msk [tilespmem:v34+s14+$0x0], $0xffff;
	_ =	sdelay $0x1  }
0x119: {  	v35 =	vadd.f32 v36, v35;
	v36 =	vmul.f32 v37, v29;
	v37 =	vmul.f32 v40, v45;
	_ =	sdelay $0x1  }
0x11a: {  	v35 =	vadd.f32 v36, v35;
	v36 =	vmul.f32 v37, v30;
	v37 =	vmul.f32 v38, v43;
	_ =	sdelay $0x1  }
0x11b: {  	v35 =	vadd.f32 v36, v35;
	v36 =	vmul.f32 v37, v31;
	v34 =	vmul.f32 v34, v41;
	_ =	sdelay $0x1  }
0x11c: {  	v35 =	vadd.f32 v36, v35;
	v34 =	vmul.f32 v34, v32;
	_ =	sdelay $0x1  }
0x11d: {  	v34 =	vadd.f32 v34, v35;
	_ =	sdelay $0x1  }
0x11e: {  	v34 =	vadd.f32 v34, v33;
	_ =	sdelay $0x1  }
0x11f: {  	v34 =	vsub.f32 $0.0e+00, v34;
	_ =	sdelay $0x1  }
0x120: {  	v34 =	vmul.f32 $1.442695020e+00, v34;
	_ =	sdelay $0x1  }
0x121: {  	(erf) = vpow2.f32 v34;
	_ =	sdelay $0x8  }
0x122: {  	v34 =	vpop (erf)  }
0x123: {  	v34 =	vadd.f32 $1.000000000e+00, v34;
	_ =	sdelay $0x1  }
0x124: {  	(erf) = vrcp.f32 v34  }
.Ltmp0:
0x125: {  	(pc) =	sbr.rel @p0 .LBB2_2-.Ltmp0, $3  }
0x126: {  	_ =	sdelay $0x1  }
0x127: {  	v34 =	vmov s22  }
0x128: {  	s22 =	sadd.s32 $0x10, s22;
	v34 =	vshll.u32 v34, $0x5  }
0x129: {  	v34 =	vor.u32 v0, v34;
	_ =	sdelay $0x1  }
0x12a: {  	v35 =	vor.u32 $0x1, v34  }
0x12b: {  	s21 =	sadd.s32 $0x10, s21;
	v36 =	vpop (erf)  }
0x12c: {  	v37 =	vor.u32 $0x2, v34;
	[tilespmem:s21+$0x0] =	vst v36  }
0x12d: {  	v36 =	vld.idx.msk [tilespmem:v34+s14+$0x0], $0xffff  }
0x12e: {  	v39 =	vor.u32 $0x3, v34;
	v38 =	vld.idx.msk [tilespmem:v34+s13+$0x0], $0xffff  }
0x12f: {  	v40 =	vld.idx.msk [tilespmem:v35+s13+$0x0], $0xffff  }
0x130: {  	v41 =	vor.u32 $0x4, v34;
	v35 =	vld.idx.msk [tilespmem:v35+s14+$0x0], $0xffff  }
0x131: {  	v42 =	vld.idx.msk [tilespmem:v37+s13+$0x0], $0xffff  }
0x132: {  	v43 =	vor.u32 $0x5, v34;
	v37 =	vld.idx.msk [tilespmem:v37+s14+$0x0], $0xffff  }
0x133: {  	v44 =	vld.idx.msk [tilespmem:v39+s13+$0x0], $0xffff;
	v36 =	vmul.f32 v36, v38  }
0x134: {  	v53 =	vor.u32 $0x6, v34;
	v52 =	vld.idx.msk [tilespmem:v39+s14+$0x0], $0xffff  }
0x135: {  	v45 =	vld.idx.msk [tilespmem:v41+s13+$0x0], $0xffff;
	v35 =	vmul.f32 v35, v40;
	v5 =	vmul.f32 v36, v5  }
0x136: {  	v55 =	vor.u32 $0x7, v34;
	v54 =	vld.idx.msk [tilespmem:v41+s14+$0x0], $0xffff  }
0x137: {  	v56 =	vld.idx.msk [tilespmem:v43+s13+$0x0], $0xffff;
	v57 =	vmul.f32 v37, v42;
	v1 =	vmul.f32 v35, v1;
	v5 =	vadd.f32 $0.0e+00, v5  }
0x138: {  	v58 =	vor.u32 $0x8, v34;
	v59 =	vld.idx.msk [tilespmem:v43+s14+$0x0], $0xffff  }
0x139: {  	v60 =	vld.idx.msk [tilespmem:v53+s13+$0x0], $0xffff;
	v61 =	vmul.f32 v52, v44;
	v2 =	vmul.f32 v57, v2;
	v1 =	vadd.f32 v1, v5  }
0x13a: {  	v62 =	vor.u32 $0x9, v34;
	v63 =	vld.idx.msk [tilespmem:v53+s14+$0x0], $0xffff  }
0x13b: {  	v46 =	vld.idx.msk [tilespmem:v55+s14+$0x0], $0xffff;
	v1 =	vadd.f32 v2, v1;
	v2 =	vmul.f32 v61, v3;
	v3 =	vmul.f32 v54, v45  }
0x13c: {  	v44 =	vld.idx.msk [tilespmem:v55+s13+$0x0], $0xffff;
	v45 =	vor.u32 $0xA, v34  }
0x13d: {  	v47 =	vld.idx.msk [tilespmem:v58+s13+$0x0], $0xffff;
	v1 =	vadd.f32 v2, v1;
	v2 =	vmul.f32 v3, v4;
	v3 =	vmul.f32 v59, v56  }
0x13e: {  	v48 =	vor.u32 $0xB, v34;
	v37 =	vld.idx.msk [tilespmem:v58+s14+$0x0], $0xffff  }
0x13f: {  	v49 =	vld.idx.msk [tilespmem:v62+s13+$0x0], $0xffff;
	v1 =	vadd.f32 v2, v1;
	v2 =	vmul.f32 v3, v6;
	v3 =	vmul.f32 v63, v60  }
0x140: {  	v50 =	vor.u32 $0xC, v34;
	v35 =	vld.idx.msk [tilespmem:v62+s14+$0x0], $0xffff  }
0x141: {  	v51 =	vld.idx.msk [tilespmem:v45+s13+$0x0], $0xffff;
	v1 =	vadd.f32 v2, v1;
	v2 =	vmul.f32 v3, v7;
	v3 =	vmul.f32 v46, v44  }
0x142: {  	v52 =	vor.u32 $0xD, v34;
	v5 =	vld.idx.msk [tilespmem:v45+s14+$0x0], $0xffff  }
0x143: {  	v53 =	vld.idx.msk [tilespmem:v48+s13+$0x0], $0xffff;
	v1 =	vadd.f32 v2, v1;
	v2 =	vmul.f32 v3, v8;
	v3 =	vmul.f32 v37, v47  }
0x144: {  	v54 =	vor.u32 $0xE, v34;
	v4 =	vld.idx.msk [tilespmem:v48+s14+$0x0], $0xffff  }
0x145: {  	v55 =	vld.idx.msk [tilespmem:v50+s13+$0x0], $0xffff;
	v1 =	vadd.f32 v2, v1;
	v2 =	vmul.f32 v3, v9;
	v3 =	vmul.f32 v35, v49  }
0x146: {  	v56 =	vor.u32 $0xF, v34;
	v6 =	vld.idx.msk [tilespmem:v50+s14+$0x0], $0xffff  }
0x147: {  	v57 =	vld.idx.msk [tilespmem:v52+s13+$0x0], $0xffff;
	v1 =	vadd.f32 v2, v1;
	v2 =	vmul.f32 v3, v10;
	v3 =	vmul.f32 v5, v51  }
0x148: {  	v58 =	vor.u32 $0x10, v34;
	v7 =	vld.idx.msk [tilespmem:v52+s14+$0x0], $0xffff  }
0x149: {  	v59 =	vld.idx.msk [tilespmem:v54+s13+$0x0], $0xffff;
	v1 =	vadd.f32 v2, v1;
	v2 =	vmul.f32 v3, v11;
	v3 =	vmul.f32 v4, v53  }
0x14a: {  	v60 =	vor.u32 $0x11, v34;
	v8 =	vld.idx.msk [tilespmem:v54+s14+$0x0], $0xffff  }
0x14b: {  	v61 =	vld.idx.msk [tilespmem:v56+s13+$0x0], $0xffff;
	v1 =	vadd.f32 v2, v1;
	v2 =	vmul.f32 v3, v12;
	v3 =	vmul.f32 v6, v55  }
0x14c: {  	v62 =	vor.u32 $0x12, v34;
	v9 =	vld.idx.msk [tilespmem:v56+s14+$0x0], $0xffff  }
0x14d: {  	v63 =	vld.idx.msk [tilespmem:v58+s13+$0x0], $0xffff;
	v1 =	vadd.f32 v2, v1;
	v2 =	vmul.f32 v3, v13;
	v3 =	vmul.f32 v7, v57  }
0x14e: {  	v35 =	vor.u32 $0x13, v34;
	v5 =	vld.idx.msk [tilespmem:v58+s14+$0x0], $0xffff  }
0x14f: {  	v36 =	vld.idx.msk [tilespmem:v60+s13+$0x0], $0xffff;
	v1 =	vadd.f32 v2, v1;
	v2 =	vmul.f32 v3, v14;
	v3 =	vmul.f32 v8, v59  }
0x150: {  	v37 =	vor.u32 $0x14, v34;
	v4 =	vld.idx.msk [tilespmem:v60+s14+$0x0], $0xffff  }
0x151: {  	v38 =	vld.idx.msk [tilespmem:v62+s13+$0x0], $0xffff;
	v1 =	vadd.f32 v2, v1;
	v2 =	vmul.f32 v3, v15;
	v3 =	vmul.f32 v9, v61  }
0x152: {  	v39 =	vor.u32 $0x15, v34;
	v6 =	vld.idx.msk [tilespmem:v62+s14+$0x0], $0xffff  }
0x153: {  	v40 =	vld.idx.msk [tilespmem:v35+s13+$0x0], $0xffff;
	v1 =	vadd.f32 v2, v1;
	v2 =	vmul.f32 v3, v16;
	v3 =	vmul.f32 v5, v63  }
0x154: {  	v41 =	vor.u32 $0x16, v34;
	v7 =	vld.idx.msk [tilespmem:v35+s14+$0x0], $0xffff  }
0x155: {  	v42 =	vld.idx.msk [tilespmem:v37+s13+$0x0], $0xffff;
	v1 =	vadd.f32 v2, v1;
	v2 =	vmul.f32 v3, v17;
	v3 =	vmul.f32 v4, v36  }
0x156: {  	v43 =	vor.u32 $0x17, v34;
	v8 =	vld.idx.msk [tilespmem:v37+s14+$0x0], $0xffff  }
0x157: {  	v44 =	vld.idx.msk [tilespmem:v39+s13+$0x0], $0xffff;
	v1 =	vadd.f32 v2, v1;
	v2 =	vmul.f32 v3, v18;
	v3 =	vmul.f32 v6, v38  }
0x158: {  	v45 =	vor.u32 $0x18, v34;
	v9 =	vld.idx.msk [tilespmem:v39+s14+$0x0], $0xffff  }
0x159: {  	v46 =	vld.idx.msk [tilespmem:v41+s13+$0x0], $0xffff;
	v1 =	vadd.f32 v2, v1;
	v2 =	vmul.f32 v3, v19;
	v3 =	vmul.f32 v7, v40  }
0x15a: {  	v47 =	vor.u32 $0x19, v34;
	v5 =	vld.idx.msk [tilespmem:v41+s14+$0x0], $0xffff  }
0x15b: {  	v48 =	vld.idx.msk [tilespmem:v43+s13+$0x0], $0xffff;
	v1 =	vadd.f32 v2, v1;
	v2 =	vmul.f32 v3, v20;
	v3 =	vmul.f32 v8, v42  }
0x15c: {  	v49 =	vor.u32 $0x1A, v34;
	v4 =	vld.idx.msk [tilespmem:v43+s14+$0x0], $0xffff  }
0x15d: {  	v50 =	vld.idx.msk [tilespmem:v45+s13+$0x0], $0xffff;
	v1 =	vadd.f32 v2, v1;
	v2 =	vmul.f32 v3, v21;
	v3 =	vmul.f32 v9, v44  }
0x15e: {  	v51 =	vor.u32 $0x1B, v34;
	v6 =	vld.idx.msk [tilespmem:v45+s14+$0x0], $0xffff  }
0x15f: {  	v52 =	vld.idx.msk [tilespmem:v47+s13+$0x0], $0xffff;
	v1 =	vadd.f32 v2, v1;
	v2 =	vmul.f32 v3, v22;
	v3 =	vmul.f32 v5, v46  }
0x160: {  	v53 =	vor.u32 $0x1C, v34;
	v7 =	vld.idx.msk [tilespmem:v47+s14+$0x0], $0xffff  }
0x161: {  	v54 =	vld.idx.msk [tilespmem:v49+s13+$0x0], $0xffff;
	v1 =	vadd.f32 v2, v1;
	v2 =	vmul.f32 v3, v23;
	v3 =	vmul.f32 v4, v48  }
0x162: {  	v55 =	vor.u32 $0x1D, v34;
	v8 =	vld.idx.msk [tilespmem:v49+s14+$0x0], $0xffff  }
0x163: {  	v56 =	vld.idx.msk [tilespmem:v51+s13+$0x0], $0xffff;
	v1 =	vadd.f32 v2, v1;
	v2 =	vmul.f32 v3, v24;
	v3 =	vmul.f32 v6, v50  }
0x164: {  	v57 =	vor.u32 $0x1E, v34;
	v9 =	vld.idx.msk [tilespmem:v51+s14+$0x0], $0xffff  }
0x165: {  	v58 =	vld.idx.msk [tilespmem:v53+s13+$0x0], $0xffff;
	v1 =	vadd.f32 v2, v1;
	v2 =	vmul.f32 v3, v25;
	v3 =	vmul.f32 v7, v52  }
0x166: {  	v59 =	vor.u32 $0x1F, v34;
	v5 =	vld.idx.msk [tilespmem:v53+s14+$0x0], $0xffff  }
0x167: {  	v60 =	vld.idx.msk [tilespmem:v55+s13+$0x0], $0xffff;
	v1 =	vadd.f32 v2, v1;
	v2 =	vmul.f32 v3, v26;
	v3 =	vmul.f32 v8, v54  }
0x168: {  	v4 =	vld.idx.msk [tilespmem:v55+s14+$0x0], $0xffff  }
0x169: {  	v61 =	vld.idx.msk [tilespmem:v57+s13+$0x0], $0xffff;
	v1 =	vadd.f32 v2, v1;
	v2 =	vmul.f32 v3, v27;
	v3 =	vmul.f32 v9, v56  }
0x16a: {  	v6 =	vld.idx.msk [tilespmem:v57+s14+$0x0], $0xffff  }
0x16b: {  	v62 =	vld.idx.msk [tilespmem:v59+s13+$0x0], $0xffff;
	v1 =	vadd.f32 v2, v1;
	v2 =	vmul.f32 v3, v28;
	v3 =	vmul.f32 v5, v58  }
0x16c: {  	v63 =	vld.idx.msk [tilespmem:v59+s14+$0x0], $0xffff  }
0x16d: {  	v1 =	vadd.f32 v2, v1;
	v2 =	vmul.f32 v3, v29;
	v3 =	vmul.f32 v4, v60;
	_ =	sdelay $0x1  }
0x16e: {  	v1 =	vadd.f32 v2, v1;
	v2 =	vmul.f32 v3, v30;
	v3 =	vmul.f32 v6, v61;
	_ =	sdelay $0x1  }
0x16f: {  	v1 =	vadd.f32 v2, v1;
	v2 =	vmul.f32 v3, v31;
	v3 =	vmul.f32 v63, v62;
	_ =	sdelay $0x1  }
0x170: {  	v1 =	vadd.f32 v2, v1;
	v2 =	vmul.f32 v3, v32;
	_ =	sdelay $0x1  }
0x171: {  	v1 =	vadd.f32 v2, v1;
	_ =	sdelay $0x1  }
0x172: {  	v1 =	vadd.f32 v1, v33;
	_ =	sdelay $0x1  }
0x173: {  	v1 =	vsub.f32 $0.0e+00, v1;
	_ =	sdelay $0x1  }
0x174: {  	v1 =	vmul.f32 $1.442695020e+00, v1;
	_ =	sdelay $0x1  }
0x175: {  	(erf) = vpow2.f32 v1;
	_ =	sdelay $0x8  }
0x176: {  	v1 =	vpop (erf)  }
0x177: {  	v1 =	vadd.f32 $1.000000000e+00, v1;
	_ =	sdelay $0x1  }
0x178: {  	(erf) = vrcp.f32 v1;
	_ =	sdelay $0x7  }
0x179: {  	s20 =	sadd.s32 $0x1, s20  }
0x17a: {  	p0 =	sne.s32 s20, s10;
	s21 =	sadd.s32 $0x10, s21;
	v1 =	vpop (erf)  }
.Ltmp1:
0x17b: {  	[tilespmem:s21+$0x0] =	vst v1;
	(pc) =	sbr.rel @p0 .LBB2_1-.Ltmp1, $4  }
0x17c: {  	[hbm4b:s9+s3] =	stream.linear.scatter [tilespmem:s19], [sflag:$0x3], $0x200, $0x38;
	[tilespmem:$0x8630] =	vst v63  }
0x17d: {  	_ =	swait.ge [sflag:s11], $0x200  }
0x17e: {  	[sflag:s11] =	ssyncset.done $0x0  }
0x17f: {  	[sflag:s11] =	ssyncadd.s32 $0xFFFFFE00  }
0x180: {  	_ =	sfence.sel $0x180000  }
0x181: {  	[bflag:$0x0] =	sbarrier.arrive $0xFFFF  }
0x182: {  	p0 =	sne.s32 s4, $0x0;
	_ =	strace $0x90000047  }
0x183: {  	s0 =	sadd.s32 @!p0 $0x100000, s0;
	[bflag:$0x2] =	sbarrier.arrive $0xFFFF  }
0x184: {  	[sflag:s0] =	ssyncadd.tile.s32 @!p0 $0x1;
	_ =	shalt  }
.Lfunc_end2:
_tile_overlayer_lowered:
.L_overlay_start_2:
0x185: {  	(tag) =	ssettag $0x2  }
0x186: {  	s0 =	rddreg [dreg:$0x0];
	s2 =	stileid.u32  }
0x187: {  	s1 =	rddreg [dreg:$0x1];
	p0 =	sne.s32 s2, $0x0  }
0x188: {  	s3 =	rddreg [dreg:$0x2];
	[bflag:$0x3] =	sbarrier.arrive $0xFFFF;
	s2 =	simm.s32 @!p0 $0x1C03  }
0x189: {  	[timem:s3], [sflag:s2] =	dma.local @!p0 [hbm:s0], s1  }
0x18a: {  	s0 =	simm.s32 @!p0 $0x3  }
0x18b: {  	_ =	swait.ge @!p0 [sflag:s0], s1  }
0x18c: {  	s1 =	ssub.s32 @!p0 $0x0, s1;
	[sflag:s0] =	ssyncset.done @!p0 $0x0  }
0x18d: {  	[sflag:s0] =	ssyncadd.s32 @!p0 s1  }
0x18e: {  	[bflag:$0x3] =	sbarrier.arrive $0xFFFF  }
0x18f: {  	_ =	shalt  }

</sc_bundles>
